<compile_context>
chip_gen: v7x
topology: tpu7x:2x2x1
jax: 0.10.2.dev20260603
libtpu: 0.0.44.dev20260713+nightly
codegen_flags: <defaults>
</compile_context>

<pallas_src>
import functools

import jax
import jax.numpy as jnp
from jax import lax
from jax.experimental import pallas as pl
from jax.experimental.pallas import tpu as pltpu
from jax.experimental.pallas import tpu_sc as plsc

N = 10000
E = 320000
F = 128
C = 128
T = 3

NC = 2
NS = 16
NW = NC * NS
EPW = E // NW
K = 80
NCH = 125
NCHP = NCH
EPWP = NCHP * K
NPAD = 10112
RPT = NPAD // NS
LANES = 16

_SLOPE = (1.0 / 8.0 + 1.0 / 3.0) / 2.0


def _sc_degree_body(dst_hbm, ones_hbm, zeros_hbm, hist_out,
                    dst_v, ones_v, hist_sh, sem):
    c = lax.axis_index("c")
    s = lax.axis_index("s")
    wid = s * NC + c
    pltpu.sync_copy(zeros_hbm.at[pl.ds(s * RPT, RPT)],
                    hist_sh.at[pl.ds(s * RPT, RPT)])
    pltpu.sync_copy(dst_hbm.at[wid], dst_v)
    pltpu.sync_copy(ones_hbm, ones_v)
    plsc.subcore_barrier()

    def add_body(i, carry):
        pltpu.sync_copy(ones_v, hist_sh.at[dst_v.at[i]], add=True)
        return carry

    lax.fori_loop(0, NCH, add_body, 0)
    plsc.subcore_barrier()
    pltpu.sync_copy(hist_sh.at[pl.ds(s * RPT, RPT)],
                    hist_out.at[c, pl.ds(s * RPT, RPT)])


def _sc_scatter_body(g0_hbm, g1_hbm, g2_hbm, src_hbm, dst_hbm, zeros_hbm,
                     s_out, src_v, dst_v, rows0, s_sh, semg0):
    c = lax.axis_index("c")
    s = lax.axis_index("s")
    wid = s * NC + c
    pltpu.sync_copy(src_hbm.at[wid], src_v)

    for t, g in enumerate((g0_hbm, g1_hbm, g2_hbm)):
        pltpu.sync_copy(zeros_hbm.at[pl.ds(s * RPT, RPT)],
                        s_sh.at[pl.ds(s * RPT, RPT)])
        pltpu.sync_copy(dst_hbm.at[wid], dst_v)
        plsc.subcore_barrier()

        def chunk_body(i, carry, g=g):
            pltpu.async_copy(g.at[src_v.at[i]], rows0, semg0).wait()
            pltpu.sync_copy(rows0, s_sh.at[dst_v.at[i]], add=True)
            return carry

        lax.fori_loop(0, NCH, chunk_body, 0)
        plsc.subcore_barrier()
        pltpu.sync_copy(s_sh.at[pl.ds(s * RPT, RPT)],
                        s_out.at[t, c, pl.ds(s * RPT, RPT)])


def _wchain_body(iw, wz, uz, bz, wr, ur, br, wh, uh, bh, out):
    w = iw[...]
    for t in range(T):
        z = jax.nn.sigmoid(jnp.dot(wz[...], w, preferred_element_type=jnp.float32)
                           + jnp.dot(uz[...], w, preferred_element_type=jnp.float32)
                           + bz[...])
        r = jax.nn.sigmoid(jnp.dot(wr[...], w, preferred_element_type=jnp.float32)
                           + jnp.dot(ur[...], w, preferred_element_type=jnp.float32)
                           + br[...])
        hc = jnp.tanh(jnp.dot(wh[...], w, preferred_element_type=jnp.float32)
                      + jnp.dot(uh[...], r * w, preferred_element_type=jnp.float32)
                      + bh[...])
        w = (1.0 - z) * w + z * hc
        out[t] = w


NB = 10
BR = N // NB


def _dinv_body(hp_ref, dinv_ref):
    deg = hp_ref[0, :N, 0] + hp_ref[1, :N, 0] + 1.0
    dinv_ref[...] = lax.rsqrt(deg)[:, None]


def _g_body(x_ref, pool_ref, wall_ref, dinv_ref, g_ref):
    xb = x_ref[0]
    h1 = lax.dot_general(xb, pool_ref[...], (((1,), (1,)), ((), ())),
                         preferred_element_type=jnp.float32)
    h2 = jnp.dot(h1, wall_ref[0], preferred_element_type=jnp.float32)
    g_ref[0] = h2 * dinv_ref[...]


def _epi_body(s_ref, g_ref, dinv_ref, out_ref):
    dinv = dinv_ref[...]
    for t in range(T):
        acc = s_ref[t, 0] + s_ref[t, 1] + g_ref[t]
        v = dinv * acc
        out_ref[:, t, :] = jnp.where(v >= 0, v, _SLOPE * v)


@functools.lru_cache(maxsize=1)
def _sc_kernels():
    mesh = plsc.VectorSubcoreMesh(core_axis_name="c", subcore_axis_name="s")
    sc_degree = pl.kernel(
        _sc_degree_body,
        out_type=jax.ShapeDtypeStruct((NC, NPAD, C), jnp.float32),
        mesh=mesh,
        scratch_types=[
            pltpu.VMEM((NCHP, K), jnp.int32),
            pltpu.VMEM((K, C), jnp.float32),
            pltpu.VMEM_SHARED((NPAD, C), jnp.float32),
            pltpu.SemaphoreType.DMA,
        ],
    )
    sc_scatter = pl.kernel(
        _sc_scatter_body,
        out_type=jax.ShapeDtypeStruct((T, NC, NPAD, C), jnp.float32),
        mesh=mesh,
        scratch_types=[
            pltpu.VMEM((NCHP, K), jnp.int32),
            pltpu.VMEM((NCHP, K), jnp.int32),
            pltpu.VMEM((K, C), jnp.float32),
            pltpu.VMEM_SHARED((NPAD, C), jnp.float32),
            pltpu.SemaphoreType.DMA,
        ],
    )
    return sc_degree, sc_scatter


def kernel(x, edge_index, initial_weight, pool_W, Wz, Uz, bz, Wr, Ur, br,
           Wh, Uh, bh):
    _sc_degree, _sc_scatter = _sc_kernels()
    pad = EPWP - EPW
    src = jnp.pad(edge_index[0].reshape(NW, EPW),
                  ((0, 0), (0, pad))).reshape(NW, NCHP, K)
    dst = jnp.pad(edge_index[1].reshape(NW, EPW), ((0, 0), (0, pad)),
                  constant_values=N).reshape(NW, NCHP, K)
    zeros = jnp.zeros((NPAD, C), jnp.float32)
    ones_rows = jnp.ones((K, C), jnp.float32)

    hp = _sc_degree(dst, ones_rows, zeros)

    dinv = pl.pallas_call(
        _dinv_body,
        out_shape=jax.ShapeDtypeStruct((N, 1), jnp.float32),
    )(hp)

    w_all = pl.pallas_call(
        _wchain_body,
        out_shape=jax.ShapeDtypeStruct((T, C, C), jnp.float32),
    )(initial_weight, Wz, Uz, bz, Wr, Ur, br, Wh, Uh, bh)

    g = pl.pallas_call(
        _g_body,
        grid=(T, NB),
        in_specs=[
            pl.BlockSpec((1, BR, F), lambda t, b: (t, b, 0)),
            pl.BlockSpec((C, F), lambda t, b: (0, 0)),
            pl.BlockSpec((1, C, C), lambda t, b: (t, 0, 0)),
            pl.BlockSpec((BR, 1), lambda t, b: (b, 0)),
        ],
        out_specs=pl.BlockSpec((1, BR, C), lambda t, b: (t, b, 0)),
        out_shape=jax.ShapeDtypeStruct((T, N, C), jnp.float32),
    )(x, pool_W, w_all, dinv)

    s_all = _sc_scatter(g[0], g[1], g[2], src, dst, zeros)

    out = pl.pallas_call(
        _epi_body,
        grid=(NB,),
        in_specs=[
            pl.BlockSpec((T, NC, BR, C), lambda b: (0, 0, b, 0)),
            pl.BlockSpec((T, BR, C), lambda b: (0, b, 0)),
            pl.BlockSpec((BR, 1), lambda b: (b, 0)),
        ],
        out_specs=pl.BlockSpec((BR, T, C), lambda b: (b, 0, 0)),
        out_shape=jax.ShapeDtypeStruct((N, T, C), jnp.float32),
    )(s_all, g, dinv)
    return out

# --- scband reference (transcript-rebuilt; emitter-appended) ---
"""Pipeline reference for scband-evolve-gcno-32847909879987 (READ-ONLY COPY).

The authoritative reference and input builder live on the scoring server;
editing this copy changes nothing except your own understanding.
"""

import jax, jax.numpy as jnp
import numpy as np

N = 10000
E = 320000
F = 128
C = 128
T = 3


def setup_inputs(seed: int = 0) -> dict:
    key = jax.random.key(seed)
    ks = jax.random.split(key, 16)
    inp = {}
    inp["x"] = jax.random.normal(ks[0], (T, N, F), dtype=jnp.float32)
    inp["edge_index"] = jax.random.randint(ks[1], (2, E), 0, N, dtype=jnp.int32)
    stdv_c = 1.0 / np.sqrt(C)
    stdv_f = 1.0 / np.sqrt(F)
    def u(k, shape, s):
        return jax.random.uniform(k, shape, jnp.float32, -s, s)
    inp["initial_weight"] = u(ks[2], (C, C), stdv_c)
    inp["pool_W"] = u(ks[3], (C, F), stdv_f)  # nn.Linear(F, C, bias=False) weight
    inp["Wz"] = u(ks[4], (C, C), stdv_c)
    inp["Uz"] = u(ks[5], (C, C), stdv_c)
    inp["bz"] = jnp.zeros((C, C), jnp.float32)
    inp["Wr"] = u(ks[6], (C, C), stdv_c)
    inp["Ur"] = u(ks[7], (C, C), stdv_c)
    inp["br"] = jnp.zeros((C, C), jnp.float32)
    inp["Wh"] = u(ks[8], (C, C), stdv_c)
    inp["Uh"] = u(ks[9], (C, C), stdv_c)
    inp["bh"] = jnp.zeros((C, C), jnp.float32)
    return inp


def _rrelu(x):
    # nn.RReLU in eval mode: negative slope = (lower + upper) / 2 = (1/8 + 1/3) / 2
    slope = (1.0 / 8.0 + 1.0 / 3.0) / 2.0
    return jnp.where(x >= 0, x, slope * x)


def _mat_gru_cell(prev_Q, Wz, Uz, bz, Wr, Ur, br, Wh, Uh, bh):
    # z_topk = prev_Q (choose_topk is unused in the actual forward path)
    z = jax.nn.sigmoid(Wz @ prev_Q + Uz @ prev_Q + bz)
    r = jax.nn.sigmoid(Wr @ prev_Q + Ur @ prev_Q + br)
    h_cap = jnp.tanh(Wh @ prev_Q + Uh @ (r * prev_Q) + bh)
    return (1.0 - z) * prev_Q + z * h_cap


def _gcn_conv_fixed_w(W, x, edge_index):
    # GCNConv with externally supplied weight W; add self loops + sym norm
    n = x.shape[0]
    loop = jnp.arange(n, dtype=edge_index.dtype)
    src = jnp.concatenate([edge_index[0], loop])
    dst = jnp.concatenate([edge_index[1], loop])
    deg = jnp.zeros((n,), x.dtype).at[dst].add(1.0)
    dinv = jnp.where(deg > 0, 1.0 / jnp.sqrt(deg), 0.0)
    norm = dinv[src] * dinv[dst]
    h = x @ W
    msg = h[src] * norm[:, None]
    return jnp.zeros_like(h).at[dst].add(msg)


def reference(x, edge_index, initial_weight, pool_W, Wz, Uz, bz, Wr, Ur, br, Wh, Uh, bh):
    W = initial_weight
    outs = []
    for t in range(x.shape[0]):
        X_tilde = x[t] @ pool_W.T
        W = _mat_gru_cell(W, Wz, Uz, bz, Wr, Ur, br, Wh, Uh, bh)
        X_tilde = _rrelu(_gcn_conv_fixed_w(W, X_tilde, edge_index))
        outs.append(X_tilde)
    return jnp.stack(outs, axis=1)  # [N, T, C]

if __name__ == "__main__":
    import jax
    _d = setup_inputs()
    print(jax.jit(kernel)(*tuple(_d.values())))

</pallas_src>

<mosaic_0001>
#map = affine_map<(d0, d1) -> (0, 0)>
#map1 = affine_map<(d0, d1) -> (0, 0, 0)>
#map2 = affine_map<(d0, d1) -> (0, 0, 0, 0)>
module attributes {stable_mosaic.version = 14 : i64} {
  func.func @_sc_scatter_body(%arg0: i32, %arg1: i32, %arg2: memref<10000x128xf32, #tpu.memory_space<hbm>>, %arg3: memref<10000x128xf32, #tpu.memory_space<hbm>>, %arg4: memref<10000x128xf32, #tpu.memory_space<hbm>>, %arg5: memref<32x125x80xi32, #tpu.memory_space<hbm>>, %arg6: memref<32x125x80xi32, #tpu.memory_space<hbm>>, %arg7: memref<10112x128xf32, #tpu.memory_space<hbm>>, %arg8: memref<3x2x10112x128xf32, #tpu.memory_space<hbm>>, %arg9: memref<125x80xi32, #tpu.memory_space<vmem>>, %arg10: memref<125x80xi32, #tpu.memory_space<vmem>>, %arg11: memref<80x128xf32, #tpu.memory_space<vmem>>, %arg12: memref<10112x128xf32, #tpu.memory_space<vmem_shared>>, %arg13: memref<!tpu.dma_semaphore, #tpu.memory_space<semaphore_mem>>) attributes {dimension_semantics = [#tpu.dimension_semantics<core_parallel>, #tpu.dimension_semantics<subcore_parallel>], iteration_bounds = array<i64: 2, 16>, scalar_prefetch = 0 : i64, scratch_operands = 5 : i64, tpu.core_type = #tpu.core_type<sc_vector_subcore>, window_params = [{transform_indices = #map}, {transform_indices = #map}, {transform_indices = #map}, {transform_indices = #map1}, {transform_indices = #map1}, {transform_indices = #map}, {transform_indices = #map2}]} {
    %mul3A = arith.constant 2 : i32
    %mul3A_0 = arith.muli %arg1, %mul3A : i32
    %add3A = arith.addi %mul3A_0, %arg0 : i32
    "tpu.region"() ({
      %run_scoped3A_49 = tpu.sem_alloc : memref<!tpu.dma_semaphore, #tpu.memory_space<semaphore_mem>>
      %dma_start3A = arith.constant 0 : i32
      %dma_start3A_50 = arith.constant 0 : i32
      %dma_start3A_51 = tpu.memref_slice %arg5[%add3A, %dma_start3A, %dma_start3A_50] : memref<32x125x80xi32, #tpu.memory_space<hbm>> -> memref<1x125x80xi32, #tpu.memory_space<hbm>>
      %dma_start3A_52 = tpu.memref_squeeze %dma_start3A_51 : memref<1x125x80xi32, #tpu.memory_space<hbm>> -> memref<125x80xi32, #tpu.memory_space<hbm>>
      %dma_start3A_53 = arith.constant 0 : i32
      %dma_start3A_54 = arith.constant 0 : i32
      %dma_start3A_55 = tpu.memref_slice %arg5[%add3A, %dma_start3A_53, %dma_start3A_54] : memref<32x125x80xi32, #tpu.memory_space<hbm>> -> memref<1x125x80xi32, #tpu.memory_space<hbm>>
      %dma_start3A_56 = tpu.memref_squeeze %dma_start3A_55 : memref<1x125x80xi32, #tpu.memory_space<hbm>> -> memref<125x80xi32, #tpu.memory_space<hbm>>
      tpu.enqueue_dma source(%dma_start3A_56 : memref<125x80xi32, #tpu.memory_space<hbm>>) target(%arg9 : memref<125x80xi32, #tpu.memory_space<vmem>>) target_semaphore(%run_scoped3A_49 : memref<!tpu.dma_semaphore, #tpu.memory_space<semaphore_mem>>)
      %dma_wait3A = arith.constant 0 : i32
      %dma_wait3A_57 = arith.constant 0 : i32
      %dma_wait3A_58 = tpu.memref_slice %arg5[%add3A, %dma_wait3A, %dma_wait3A_57] : memref<32x125x80xi32, #tpu.memory_space<hbm>> -> memref<1x125x80xi32, #tpu.memory_space<hbm>>
      %dma_wait3A_59 = tpu.memref_squeeze %dma_wait3A_58 : memref<1x125x80xi32, #tpu.memory_space<hbm>> -> memref<125x80xi32, #tpu.memory_space<hbm>>
      %dma_wait3A_60 = arith.constant 0 : i32
      %dma_wait3A_61 = arith.constant 0 : i32
      %dma_wait3A_62 = tpu.memref_slice %arg5[%add3A, %dma_wait3A_60, %dma_wait3A_61] : memref<32x125x80xi32, #tpu.memory_space<hbm>> -> memref<1x125x80xi32, #tpu.memory_space<hbm>>
      %dma_wait3A_63 = tpu.memref_squeeze %dma_wait3A_62 : memref<1x125x80xi32, #tpu.memory_space<hbm>> -> memref<125x80xi32, #tpu.memory_space<hbm>>
      tpu.wait_dma2 semaphore(%run_scoped3A_49 : memref<!tpu.dma_semaphore, #tpu.memory_space<semaphore_mem>>) src(%dma_wait3A_63 : memref<125x80xi32, #tpu.memory_space<hbm>>) dst(%arg9 : memref<125x80xi32, #tpu.memory_space<vmem>>)
      tpu.yield
    }) : () -> ()
    %mul3A_1 = arith.constant 632 : i32
    %mul3A_2 = arith.muli %arg1, %mul3A_1 : i32
    %mul3A_3 = arith.constant 632 : i32
    %mul3A_4 = arith.muli %arg1, %mul3A_3 : i32
    "tpu.region"() ({
      %run_scoped3A_49 = tpu.sem_alloc : memref<!tpu.dma_semaphore, #tpu.memory_space<semaphore_mem>>
      %dma_start3A = arith.constant 0 : i32
      %dma_start3A_50 = tpu.memref_slice %arg12[%mul3A_4, %dma_start3A] : memref<10112x128xf32, #tpu.memory_space<vmem_shared>> -> memref<632x128xf32, #tpu.memory_space<vmem_shared>>
      %dma_start3A_51 = arith.constant 0 : i32
      %dma_start3A_52 = tpu.memref_slice %arg7[%mul3A_2, %dma_start3A_51] : memref<10112x128xf32, #tpu.memory_space<hbm>> -> memref<632x128xf32, #tpu.memory_space<hbm>>
      tpu.enqueue_dma source(%dma_start3A_52 : memref<632x128xf32, #tpu.memory_space<hbm>>) target(%dma_start3A_50 : memref<632x128xf32, #tpu.memory_space<vmem_shared>>) target_semaphore(%run_scoped3A_49 : memref<!tpu.dma_semaphore, #tpu.memory_space<semaphore_mem>>)
      %dma_wait3A = arith.constant 0 : i32
      %dma_wait3A_53 = tpu.memref_slice %arg12[%mul3A_4, %dma_wait3A] : memref<10112x128xf32, #tpu.memory_space<vmem_shared>> -> memref<632x128xf32, #tpu.memory_space<vmem_shared>>
      %dma_wait3A_54 = arith.constant 0 : i32
      %dma_wait3A_55 = tpu.memref_slice %arg7[%mul3A_2, %dma_wait3A_54] : memref<10112x128xf32, #tpu.memory_space<hbm>> -> memref<632x128xf32, #tpu.memory_space<hbm>>
      tpu.wait_dma2 semaphore(%run_scoped3A_49 : memref<!tpu.dma_semaphore, #tpu.memory_space<semaphore_mem>>) src(%dma_wait3A_55 : memref<632x128xf32, #tpu.memory_space<hbm>>) dst(%dma_wait3A_53 : memref<632x128xf32, #tpu.memory_space<vmem_shared>>)
      tpu.yield
    }) : () -> ()
    "tpu.region"() ({
      %run_scoped3A_49 = tpu.sem_alloc : memref<!tpu.dma_semaphore, #tpu.memory_space<semaphore_mem>>
      %dma_start3A = arith.constant 0 : i32
      %dma_start3A_50 = arith.constant 0 : i32
      %dma_start3A_51 = tpu.memref_slice %arg6[%add3A, %dma_start3A, %dma_start3A_50] : memref<32x125x80xi32, #tpu.memory_space<hbm>> -> memref<1x125x80xi32, #tpu.memory_space<hbm>>
      %dma_start3A_52 = tpu.memref_squeeze %dma_start3A_51 : memref<1x125x80xi32, #tpu.memory_space<hbm>> -> memref<125x80xi32, #tpu.memory_space<hbm>>
      %dma_start3A_53 = arith.constant 0 : i32
      %dma_start3A_54 = arith.constant 0 : i32
      %dma_start3A_55 = tpu.memref_slice %arg6[%add3A, %dma_start3A_53, %dma_start3A_54] : memref<32x125x80xi32, #tpu.memory_space<hbm>> -> memref<1x125x80xi32, #tpu.memory_space<hbm>>
      %dma_start3A_56 = tpu.memref_squeeze %dma_start3A_55 : memref<1x125x80xi32, #tpu.memory_space<hbm>> -> memref<125x80xi32, #tpu.memory_space<hbm>>
      tpu.enqueue_dma source(%dma_start3A_56 : memref<125x80xi32, #tpu.memory_space<hbm>>) target(%arg10 : memref<125x80xi32, #tpu.memory_space<vmem>>) target_semaphore(%run_scoped3A_49 : memref<!tpu.dma_semaphore, #tpu.memory_space<semaphore_mem>>)
      %dma_wait3A = arith.constant 0 : i32
      %dma_wait3A_57 = arith.constant 0 : i32
      %dma_wait3A_58 = tpu.memref_slice %arg6[%add3A, %dma_wait3A, %dma_wait3A_57] : memref<32x125x80xi32, #tpu.memory_space<hbm>> -> memref<1x125x80xi32, #tpu.memory_space<hbm>>
      %dma_wait3A_59 = tpu.memref_squeeze %dma_wait3A_58 : memref<1x125x80xi32, #tpu.memory_space<hbm>> -> memref<125x80xi32, #tpu.memory_space<hbm>>
      %dma_wait3A_60 = arith.constant 0 : i32
      %dma_wait3A_61 = arith.constant 0 : i32
      %dma_wait3A_62 = tpu.memref_slice %arg6[%add3A, %dma_wait3A_60, %dma_wait3A_61] : memref<32x125x80xi32, #tpu.memory_space<hbm>> -> memref<1x125x80xi32, #tpu.memory_space<hbm>>
      %dma_wait3A_63 = tpu.memref_squeeze %dma_wait3A_62 : memref<1x125x80xi32, #tpu.memory_space<hbm>> -> memref<125x80xi32, #tpu.memory_space<hbm>>
      tpu.wait_dma2 semaphore(%run_scoped3A_49 : memref<!tpu.dma_semaphore, #tpu.memory_space<semaphore_mem>>) src(%dma_wait3A_63 : memref<125x80xi32, #tpu.memory_space<hbm>>) dst(%arg10 : memref<125x80xi32, #tpu.memory_space<vmem>>)
      tpu.yield
    }) : () -> ()
    %barrier3A = arith.constant 0 : index
    tpu.barrier barrier_id(%barrier3A)
    %scan3A = arith.constant 0 : i32
    %scan3A_5 = arith.constant 0 : i32
    %scan3A_6 = arith.constant 125 : i32
    %scan3A_7 = arith.addi %scan3A_5, %scan3A_6 : i32
    %scan3A_8 = arith.constant 1 : i32
    scf.for %scan3A_49 = %scan3A_5 to %scan3A_7 step %scan3A_8  : i32 {
      %dma_start3A = arith.constant 0 : i32
      %dma_start3A_50 = tpu.memref_slice %arg9[%scan3A_49, %dma_start3A] : memref<125x80xi32, #tpu.memory_space<vmem>> -> memref<1x80xi32, #tpu.memory_space<vmem>>
      %dma_start3A_51 = tpu.memref_squeeze %dma_start3A_50 : memref<1x80xi32, #tpu.memory_space<vmem>> -> memref<80xi32, #tpu.memory_space<vmem>>
      %dma_start3A_52 = arith.constant 0 : i32
      %dma_start3A_53 = arith.constant 0 : i32
      %dma_start3A_54 = tpu.memref_slice %arg2[%dma_start3A_52, %dma_start3A_53] : memref<10000x128xf32, #tpu.memory_space<hbm>> -> memref<10000x128xf32, #tpu.memory_space<hbm>>
      tpu.enqueue_indirect_dma source(%dma_start3A_54 : memref<10000x128xf32, #tpu.memory_space<hbm>>) target(%arg11 : memref<80x128xf32, #tpu.memory_space<vmem>>) offsets(%dma_start3A_51 : memref<80xi32, #tpu.memory_space<vmem>>) semaphore(%arg13 : memref<!tpu.dma_semaphore, #tpu.memory_space<semaphore_mem>>)
      %dma_wait3A = arith.constant 0 : i32
      %dma_wait3A_55 = tpu.memref_slice %arg9[%scan3A_49, %dma_wait3A] : memref<125x80xi32, #tpu.memory_space<vmem>> -> memref<1x80xi32, #tpu.memory_space<vmem>>
      %dma_wait3A_56 = tpu.memref_squeeze %dma_wait3A_55 : memref<1x80xi32, #tpu.memory_space<vmem>> -> memref<80xi32, #tpu.memory_space<vmem>>
      %dma_wait3A_57 = arith.constant 0 : i32
      %dma_wait3A_58 = arith.constant 0 : i32
      %dma_wait3A_59 = tpu.memref_slice %arg2[%dma_wait3A_57, %dma_wait3A_58] : memref<10000x128xf32, #tpu.memory_space<hbm>> -> memref<10000x128xf32, #tpu.memory_space<hbm>>
      tpu.wait_indirect_dma semaphore(%arg13 : memref<!tpu.dma_semaphore, #tpu.memory_space<semaphore_mem>>) src(%dma_wait3A_59 : memref<10000x128xf32, #tpu.memory_space<hbm>>) dst(%arg11 : memref<80x128xf32, #tpu.memory_space<vmem>>)
      "tpu.region"() ({
        %run_scoped3A_60 = tpu.sem_alloc : memref<!tpu.dma_semaphore, #tpu.memory_space<semaphore_mem>>
        %dma_start3A_61 = arith.constant 0 : i32
        %dma_start3A_62 = tpu.memref_slice %arg10[%scan3A_49, %dma_start3A_61] : memref<125x80xi32, #tpu.memory_space<vmem>> -> memref<1x80xi32, #tpu.memory_space<vmem>>
        %dma_start3A_63 = tpu.memref_squeeze %dma_start3A_62 : memref<1x80xi32, #tpu.memory_space<vmem>> -> memref<80xi32, #tpu.memory_space<vmem>>
        %dma_start3A_64 = arith.constant 0 : i32
        %dma_start3A_65 = arith.constant 0 : i32
        %dma_start3A_66 = tpu.memref_slice %arg12[%dma_start3A_64, %dma_start3A_65] : memref<10112x128xf32, #tpu.memory_space<vmem_shared>> -> memref<10112x128xf32, #tpu.memory_space<vmem_shared>>
        tpu.enqueue_indirect_dma source(%arg11 : memref<80x128xf32, #tpu.memory_space<vmem>>) target(%dma_start3A_66 : memref<10112x128xf32, #tpu.memory_space<vmem_shared>>) offsets(%dma_start3A_63 : memref<80xi32, #tpu.memory_space<vmem>>) semaphore(%run_scoped3A_60 : memref<!tpu.dma_semaphore, #tpu.memory_space<semaphore_mem>>) {add = true}
        %dma_wait3A_67 = arith.constant 0 : i32
        %dma_wait3A_68 = tpu.memref_slice %arg10[%scan3A_49, %dma_wait3A_67] : memref<125x80xi32, #tpu.memory_space<vmem>> -> memref<1x80xi32, #tpu.memory_space<vmem>>
        %dma_wait3A_69 = tpu.memref_squeeze %dma_wait3A_68 : memref<1x80xi32, #tpu.memory_space<vmem>> -> memref<80xi32, #tpu.memory_space<vmem>>
        %dma_wait3A_70 = arith.constant 0 : i32
        %dma_wait3A_71 = arith.constant 0 : i32
        %dma_wait3A_72 = tpu.memref_slice %arg12[%dma_wait3A_70, %dma_wait3A_71] : memref<10112x128xf32, #tpu.memory_space<vmem_shared>> -> memref<10112x128xf32, #tpu.memory_space<vmem_shared>>
        tpu.wait_indirect_dma semaphore(%run_scoped3A_60 : memref<!tpu.dma_semaphore, #tpu.memory_space<semaphore_mem>>) src(%arg11 : memref<80x128xf32, #tpu.memory_space<vmem>>) dst(%dma_wait3A_72 : memref<10112x128xf32, #tpu.memory_space<vmem_shared>>)
        tpu.yield
      }) : () -> ()
    }
    %scan3A_9 = arith.constant 125 : i32
    %barrier3A_10 = arith.constant 0 : index
    tpu.barrier barrier_id(%barrier3A_10)
    %mul3A_11 = arith.constant 632 : i32
    %mul3A_12 = arith.muli %arg1, %mul3A_11 : i32
    %mul3A_13 = arith.constant 632 : i32
    %mul3A_14 = arith.muli %arg1, %mul3A_13 : i32
    %run_scoped3A = arith.constant 0 : i32
    "tpu.region"() ({
      %run_scoped3A_49 = tpu.sem_alloc : memref<!tpu.dma_semaphore, #tpu.memory_space<semaphore_mem>>
      %dma_start3A = arith.constant 0 : i32
      %dma_start3A_50 = tpu.memref_slice %arg8[%run_scoped3A, %arg0, %mul3A_14, %dma_start3A] : memref<3x2x10112x128xf32, #tpu.memory_space<hbm>> -> memref<1x1x632x128xf32, #tpu.memory_space<hbm>>
      %dma_start3A_51 = tpu.memref_squeeze %dma_start3A_50 : memref<1x1x632x128xf32, #tpu.memory_space<hbm>> -> memref<632x128xf32, #tpu.memory_space<hbm>>
      %dma_start3A_52 = arith.constant 0 : i32
      %dma_start3A_53 = tpu.memref_slice %arg12[%mul3A_12, %dma_start3A_52] : memref<10112x128xf32, #tpu.memory_space<vmem_shared>> -> memref<632x128xf32, #tpu.memory_space<vmem_shared>>
      tpu.enqueue_dma source(%dma_start3A_53 : memref<632x128xf32, #tpu.memory_space<vmem_shared>>) target(%dma_start3A_51 : memref<632x128xf32, #tpu.memory_space<hbm>>) target_semaphore(%run_scoped3A_49 : memref<!tpu.dma_semaphore, #tpu.memory_space<semaphore_mem>>)
      %dma_wait3A = arith.constant 0 : i32
      %dma_wait3A_54 = tpu.memref_slice %arg8[%run_scoped3A, %arg0, %mul3A_14, %dma_wait3A] : memref<3x2x10112x128xf32, #tpu.memory_space<hbm>> -> memref<1x1x632x128xf32, #tpu.memory_space<hbm>>
      %dma_wait3A_55 = tpu.memref_squeeze %dma_wait3A_54 : memref<1x1x632x128xf32, #tpu.memory_space<hbm>> -> memref<632x128xf32, #tpu.memory_space<hbm>>
      %dma_wait3A_56 = arith.constant 0 : i32
      %dma_wait3A_57 = tpu.memref_slice %arg12[%mul3A_12, %dma_wait3A_56] : memref<10112x128xf32, #tpu.memory_space<vmem_shared>> -> memref<632x128xf32, #tpu.memory_space<vmem_shared>>
      tpu.wait_dma2 semaphore(%run_scoped3A_49 : memref<!tpu.dma_semaphore, #tpu.memory_space<semaphore_mem>>) src(%dma_wait3A_57 : memref<632x128xf32, #tpu.memory_space<vmem_shared>>) dst(%dma_wait3A_55 : memref<632x128xf32, #tpu.memory_space<hbm>>)
      tpu.yield
    }) : () -> ()
    %mul3A_15 = arith.constant 632 : i32
    %mul3A_16 = arith.muli %arg1, %mul3A_15 : i32
    %mul3A_17 = arith.constant 632 : i32
    %mul3A_18 = arith.muli %arg1, %mul3A_17 : i32
    "tpu.region"() ({
      %run_scoped3A_49 = tpu.sem_alloc : memref<!tpu.dma_semaphore, #tpu.memory_space<semaphore_mem>>
      %dma_start3A = arith.constant 0 : i32
      %dma_start3A_50 = tpu.memref_slice %arg12[%mul3A_18, %dma_start3A] : memref<10112x128xf32, #tpu.memory_space<vmem_shared>> -> memref<632x128xf32, #tpu.memory_space<vmem_shared>>
      %dma_start3A_51 = arith.constant 0 : i32
      %dma_start3A_52 = tpu.memref_slice %arg7[%mul3A_16, %dma_start3A_51] : memref<10112x128xf32, #tpu.memory_space<hbm>> -> memref<632x128xf32, #tpu.memory_space<hbm>>
      tpu.enqueue_dma source(%dma_start3A_52 : memref<632x128xf32, #tpu.memory_space<hbm>>) target(%dma_start3A_50 : memref<632x128xf32, #tpu.memory_space<vmem_shared>>) target_semaphore(%run_scoped3A_49 : memref<!tpu.dma_semaphore, #tpu.memory_space<semaphore_mem>>)
      %dma_wait3A = arith.constant 0 : i32
      %dma_wait3A_53 = tpu.memref_slice %arg12[%mul3A_18, %dma_wait3A] : memref<10112x128xf32, #tpu.memory_space<vmem_shared>> -> memref<632x128xf32, #tpu.memory_space<vmem_shared>>
      %dma_wait3A_54 = arith.constant 0 : i32
      %dma_wait3A_55 = tpu.memref_slice %arg7[%mul3A_16, %dma_wait3A_54] : memref<10112x128xf32, #tpu.memory_space<hbm>> -> memref<632x128xf32, #tpu.memory_space<hbm>>
      tpu.wait_dma2 semaphore(%run_scoped3A_49 : memref<!tpu.dma_semaphore, #tpu.memory_space<semaphore_mem>>) src(%dma_wait3A_55 : memref<632x128xf32, #tpu.memory_space<hbm>>) dst(%dma_wait3A_53 : memref<632x128xf32, #tpu.memory_space<vmem_shared>>)
      tpu.yield
    }) : () -> ()
    "tpu.region"() ({
      %run_scoped3A_49 = tpu.sem_alloc : memref<!tpu.dma_semaphore, #tpu.memory_space<semaphore_mem>>
      %dma_start3A = arith.constant 0 : i32
      %dma_start3A_50 = arith.constant 0 : i32
      %dma_start3A_51 = tpu.memref_slice %arg6[%add3A, %dma_start3A, %dma_start3A_50] : memref<32x125x80xi32, #tpu.memory_space<hbm>> -> memref<1x125x80xi32, #tpu.memory_space<hbm>>
      %dma_start3A_52 = tpu.memref_squeeze %dma_start3A_51 : memref<1x125x80xi32, #tpu.memory_space<hbm>> -> memref<125x80xi32, #tpu.memory_space<hbm>>
      %dma_start3A_53 = arith.constant 0 : i32
      %dma_start3A_54 = arith.constant 0 : i32
      %dma_start3A_55 = tpu.memref_slice %arg6[%add3A, %dma_start3A_53, %dma_start3A_54] : memref<32x125x80xi32, #tpu.memory_space<hbm>> -> memref<1x125x80xi32, #tpu.memory_space<hbm>>
      %dma_start3A_56 = tpu.memref_squeeze %dma_start3A_55 : memref<1x125x80xi32, #tpu.memory_space<hbm>> -> memref<125x80xi32, #tpu.memory_space<hbm>>
      tpu.enqueue_dma source(%dma_start3A_56 : memref<125x80xi32, #tpu.memory_space<hbm>>) target(%arg10 : memref<125x80xi32, #tpu.memory_space<vmem>>) target_semaphore(%run_scoped3A_49 : memref<!tpu.dma_semaphore, #tpu.memory_space<semaphore_mem>>)
      %dma_wait3A = arith.constant 0 : i32
      %dma_wait3A_57 = arith.constant 0 : i32
      %dma_wait3A_58 = tpu.memref_slice %arg6[%add3A, %dma_wait3A, %dma_wait3A_57] : memref<32x125x80xi32, #tpu.memory_space<hbm>> -> memref<1x125x80xi32, #tpu.memory_space<hbm>>
      %dma_wait3A_59 = tpu.memref_squeeze %dma_wait3A_58 : memref<1x125x80xi32, #tpu.memory_space<hbm>> -> memref<125x80xi32, #tpu.memory_space<hbm>>
      %dma_wait3A_60 = arith.constant 0 : i32
      %dma_wait3A_61 = arith.constant 0 : i32
      %dma_wait3A_62 = tpu.memref_slice %arg6[%add3A, %dma_wait3A_60, %dma_wait3A_61] : memref<32x125x80xi32, #tpu.memory_space<hbm>> -> memref<1x125x80xi32, #tpu.memory_space<hbm>>
      %dma_wait3A_63 = tpu.memref_squeeze %dma_wait3A_62 : memref<1x125x80xi32, #tpu.memory_space<hbm>> -> memref<125x80xi32, #tpu.memory_space<hbm>>
      tpu.wait_dma2 semaphore(%run_scoped3A_49 : memref<!tpu.dma_semaphore, #tpu.memory_space<semaphore_mem>>) src(%dma_wait3A_63 : memref<125x80xi32, #tpu.memory_space<hbm>>) dst(%arg10 : memref<125x80xi32, #tpu.memory_space<vmem>>)
      tpu.yield
    }) : () -> ()
    %barrier3A_19 = arith.constant 0 : index
    tpu.barrier barrier_id(%barrier3A_19)
    %scan3A_20 = arith.constant 0 : i32
    %scan3A_21 = arith.constant 0 : i32
    %scan3A_22 = arith.constant 125 : i32
    %scan3A_23 = arith.addi %scan3A_21, %scan3A_22 : i32
    %scan3A_24 = arith.constant 1 : i32
    scf.for %scan3A_49 = %scan3A_21 to %scan3A_23 step %scan3A_24  : i32 {
      %dma_start3A = arith.constant 0 : i32
      %dma_start3A_50 = tpu.memref_slice %arg9[%scan3A_49, %dma_start3A] : memref<125x80xi32, #tpu.memory_space<vmem>> -> memref<1x80xi32, #tpu.memory_space<vmem>>
      %dma_start3A_51 = tpu.memref_squeeze %dma_start3A_50 : memref<1x80xi32, #tpu.memory_space<vmem>> -> memref<80xi32, #tpu.memory_space<vmem>>
      %dma_start3A_52 = arith.constant 0 : i32
      %dma_start3A_53 = arith.constant 0 : i32
      %dma_start3A_54 = tpu.memref_slice %arg3[%dma_start3A_52, %dma_start3A_53] : memref<10000x128xf32, #tpu.memory_space<hbm>> -> memref<10000x128xf32, #tpu.memory_space<hbm>>
      tpu.enqueue_indirect_dma source(%dma_start3A_54 : memref<10000x128xf32, #tpu.memory_space<hbm>>) target(%arg11 : memref<80x128xf32, #tpu.memory_space<vmem>>) offsets(%dma_start3A_51 : memref<80xi32, #tpu.memory_space<vmem>>) semaphore(%arg13 : memref<!tpu.dma_semaphore, #tpu.memory_space<semaphore_mem>>)
      %dma_wait3A = arith.constant 0 : i32
      %dma_wait3A_55 = tpu.memref_slice %arg9[%scan3A_49, %dma_wait3A] : memref<125x80xi32, #tpu.memory_space<vmem>> -> memref<1x80xi32, #tpu.memory_space<vmem>>
      %dma_wait3A_56 = tpu.memref_squeeze %dma_wait3A_55 : memref<1x80xi32, #tpu.memory_space<vmem>> -> memref<80xi32, #tpu.memory_space<vmem>>
      %dma_wait3A_57 = arith.constant 0 : i32
      %dma_wait3A_58 = arith.constant 0 : i32
      %dma_wait3A_59 = tpu.memref_slice %arg3[%dma_wait3A_57, %dma_wait3A_58] : memref<10000x128xf32, #tpu.memory_space<hbm>> -> memref<10000x128xf32, #tpu.memory_space<hbm>>
      tpu.wait_indirect_dma semaphore(%arg13 : memref<!tpu.dma_semaphore, #tpu.memory_space<semaphore_mem>>) src(%dma_wait3A_59 : memref<10000x128xf32, #tpu.memory_space<hbm>>) dst(%arg11 : memref<80x128xf32, #tpu.memory_space<vmem>>)
      "tpu.region"() ({
        %run_scoped3A_60 = tpu.sem_alloc : memref<!tpu.dma_semaphore, #tpu.memory_space<semaphore_mem>>
        %dma_start3A_61 = arith.constant 0 : i32
        %dma_start3A_62 = tpu.memref_slice %arg10[%scan3A_49, %dma_start3A_61] : memref<125x80xi32, #tpu.memory_space<vmem>> -> memref<1x80xi32, #tpu.memory_space<vmem>>
        %dma_start3A_63 = tpu.memref_squeeze %dma_start3A_62 : memref<1x80xi32, #tpu.memory_space<vmem>> -> memref<80xi32, #tpu.memory_space<vmem>>
        %dma_start3A_64 = arith.constant 0 : i32
        %dma_start3A_65 = arith.constant 0 : i32
        %dma_start3A_66 = tpu.memref_slice %arg12[%dma_start3A_64, %dma_start3A_65] : memref<10112x128xf32, #tpu.memory_space<vmem_shared>> -> memref<10112x128xf32, #tpu.memory_space<vmem_shared>>
        tpu.enqueue_indirect_dma source(%arg11 : memref<80x128xf32, #tpu.memory_space<vmem>>) target(%dma_start3A_66 : memref<10112x128xf32, #tpu.memory_space<vmem_shared>>) offsets(%dma_start3A_63 : memref<80xi32, #tpu.memory_space<vmem>>) semaphore(%run_scoped3A_60 : memref<!tpu.dma_semaphore, #tpu.memory_space<semaphore_mem>>) {add = true}
        %dma_wait3A_67 = arith.constant 0 : i32
        %dma_wait3A_68 = tpu.memref_slice %arg10[%scan3A_49, %dma_wait3A_67] : memref<125x80xi32, #tpu.memory_space<vmem>> -> memref<1x80xi32, #tpu.memory_space<vmem>>
        %dma_wait3A_69 = tpu.memref_squeeze %dma_wait3A_68 : memref<1x80xi32, #tpu.memory_space<vmem>> -> memref<80xi32, #tpu.memory_space<vmem>>
        %dma_wait3A_70 = arith.constant 0 : i32
        %dma_wait3A_71 = arith.constant 0 : i32
        %dma_wait3A_72 = tpu.memref_slice %arg12[%dma_wait3A_70, %dma_wait3A_71] : memref<10112x128xf32, #tpu.memory_space<vmem_shared>> -> memref<10112x128xf32, #tpu.memory_space<vmem_shared>>
        tpu.wait_indirect_dma semaphore(%run_scoped3A_60 : memref<!tpu.dma_semaphore, #tpu.memory_space<semaphore_mem>>) src(%arg11 : memref<80x128xf32, #tpu.memory_space<vmem>>) dst(%dma_wait3A_72 : memref<10112x128xf32, #tpu.memory_space<vmem_shared>>)
        tpu.yield
      }) : () -> ()
    }
    %scan3A_25 = arith.constant 125 : i32
    %barrier3A_26 = arith.constant 0 : index
    tpu.barrier barrier_id(%barrier3A_26)
    %mul3A_27 = arith.constant 632 : i32
    %mul3A_28 = arith.muli %arg1, %mul3A_27 : i32
    %mul3A_29 = arith.constant 632 : i32
    %mul3A_30 = arith.muli %arg1, %mul3A_29 : i32
    %run_scoped3A_31 = arith.constant 1 : i32
    "tpu.region"() ({
      %run_scoped3A_49 = tpu.sem_alloc : memref<!tpu.dma_semaphore, #tpu.memory_space<semaphore_mem>>
      %dma_start3A = arith.constant 0 : i32
      %dma_start3A_50 = tpu.memref_slice %arg8[%run_scoped3A_31, %arg0, %mul3A_30, %dma_start3A] : memref<3x2x10112x128xf32, #tpu.memory_space<hbm>> -> memref<1x1x632x128xf32, #tpu.memory_space<hbm>>
      %dma_start3A_51 = tpu.memref_squeeze %dma_start3A_50 : memref<1x1x632x128xf32, #tpu.memory_space<hbm>> -> memref<632x128xf32, #tpu.memory_space<hbm>>
      %dma_start3A_52 = arith.constant 0 : i32
      %dma_start3A_53 = tpu.memref_slice %arg12[%mul3A_28, %dma_start3A_52] : memref<10112x128xf32, #tpu.memory_space<vmem_shared>> -> memref<632x128xf32, #tpu.memory_space<vmem_shared>>
      tpu.enqueue_dma source(%dma_start3A_53 : memref<632x128xf32, #tpu.memory_space<vmem_shared>>) target(%dma_start3A_51 : memref<632x128xf32, #tpu.memory_space<hbm>>) target_semaphore(%run_scoped3A_49 : memref<!tpu.dma_semaphore, #tpu.memory_space<semaphore_mem>>)
      %dma_wait3A = arith.constant 0 : i32
      %dma_wait3A_54 = tpu.memref_slice %arg8[%run_scoped3A_31, %arg0, %mul3A_30, %dma_wait3A] : memref<3x2x10112x128xf32, #tpu.memory_space<hbm>> -> memref<1x1x632x128xf32, #tpu.memory_space<hbm>>
      %dma_wait3A_55 = tpu.memref_squeeze %dma_wait3A_54 : memref<1x1x632x128xf32, #tpu.memory_space<hbm>> -> memref<632x128xf32, #tpu.memory_space<hbm>>
      %dma_wait3A_56 = arith.constant 0 : i32
      %dma_wait3A_57 = tpu.memref_slice %arg12[%mul3A_28, %dma_wait3A_56] : memref<10112x128xf32, #tpu.memory_space<vmem_shared>> -> memref<632x128xf32, #tpu.memory_space<vmem_shared>>
      tpu.wait_dma2 semaphore(%run_scoped3A_49 : memref<!tpu.dma_semaphore, #tpu.memory_space<semaphore_mem>>) src(%dma_wait3A_57 : memref<632x128xf32, #tpu.memory_space<vmem_shared>>) dst(%dma_wait3A_55 : memref<632x128xf32, #tpu.memory_space<hbm>>)
      tpu.yield
    }) : () -> ()
    %mul3A_32 = arith.constant 632 : i32
    %mul3A_33 = arith.muli %arg1, %mul3A_32 : i32
    %mul3A_34 = arith.constant 632 : i32
    %mul3A_35 = arith.muli %arg1, %mul3A_34 : i32
    "tpu.region"() ({
      %run_scoped3A_49 = tpu.sem_alloc : memref<!tpu.dma_semaphore, #tpu.memory_space<semaphore_mem>>
      %dma_start3A = arith.constant 0 : i32
      %dma_start3A_50 = tpu.memref_slice %arg12[%mul3A_35, %dma_start3A] : memref<10112x128xf32, #tpu.memory_space<vmem_shared>> -> memref<632x128xf32, #tpu.memory_space<vmem_shared>>
      %dma_start3A_51 = arith.constant 0 : i32
      %dma_start3A_52 = tpu.memref_slice %arg7[%mul3A_33, %dma_start3A_51] : memref<10112x128xf32, #tpu.memory_space<hbm>> -> memref<632x128xf32, #tpu.memory_space<hbm>>
      tpu.enqueue_dma source(%dma_start3A_52 : memref<632x128xf32, #tpu.memory_space<hbm>>) target(%dma_start3A_50 : memref<632x128xf32, #tpu.memory_space<vmem_shared>>) target_semaphore(%run_scoped3A_49 : memref<!tpu.dma_semaphore, #tpu.memory_space<semaphore_mem>>)
      %dma_wait3A = arith.constant 0 : i32
      %dma_wait3A_53 = tpu.memref_slice %arg12[%mul3A_35, %dma_wait3A] : memref<10112x128xf32, #tpu.memory_space<vmem_shared>> -> memref<632x128xf32, #tpu.memory_space<vmem_shared>>
      %dma_wait3A_54 = arith.constant 0 : i32
      %dma_wait3A_55 = tpu.memref_slice %arg7[%mul3A_33, %dma_wait3A_54] : memref<10112x128xf32, #tpu.memory_space<hbm>> -> memref<632x128xf32, #tpu.memory_space<hbm>>
      tpu.wait_dma2 semaphore(%run_scoped3A_49 : memref<!tpu.dma_semaphore, #tpu.memory_space<semaphore_mem>>) src(%dma_wait3A_55 : memref<632x128xf32, #tpu.memory_space<hbm>>) dst(%dma_wait3A_53 : memref<632x128xf32, #tpu.memory_space<vmem_shared>>)
      tpu.yield
    }) : () -> ()
    "tpu.region"() ({
      %run_scoped3A_49 = tpu.sem_alloc : memref<!tpu.dma_semaphore, #tpu.memory_space<semaphore_mem>>
      %dma_start3A = arith.constant 0 : i32
      %dma_start3A_50 = arith.constant 0 : i32
      %dma_start3A_51 = tpu.memref_slice %arg6[%add3A, %dma_start3A, %dma_start3A_50] : memref<32x125x80xi32, #tpu.memory_space<hbm>> -> memref<1x125x80xi32, #tpu.memory_space<hbm>>
      %dma_start3A_52 = tpu.memref_squeeze %dma_start3A_51 : memref<1x125x80xi32, #tpu.memory_space<hbm>> -> memref<125x80xi32, #tpu.memory_space<hbm>>
      %dma_start3A_53 = arith.constant 0 : i32
      %dma_start3A_54 = arith.constant 0 : i32
      %dma_start3A_55 = tpu.memref_slice %arg6[%add3A, %dma_start3A_53, %dma_start3A_54] : memref<32x125x80xi32, #tpu.memory_space<hbm>> -> memref<1x125x80xi32, #tpu.memory_space<hbm>>
      %dma_start3A_56 = tpu.memref_squeeze %dma_start3A_55 : memref<1x125x80xi32, #tpu.memory_space<hbm>> -> memref<125x80xi32, #tpu.memory_space<hbm>>
      tpu.enqueue_dma source(%dma_start3A_56 : memref<125x80xi32, #tpu.memory_space<hbm>>) target(%arg10 : memref<125x80xi32, #tpu.memory_space<vmem>>) target_semaphore(%run_scoped3A_49 : memref<!tpu.dma_semaphore, #tpu.memory_space<semaphore_mem>>)
      %dma_wait3A = arith.constant 0 : i32
      %dma_wait3A_57 = arith.constant 0 : i32
      %dma_wait3A_58 = tpu.memref_slice %arg6[%add3A, %dma_wait3A, %dma_wait3A_57] : memref<32x125x80xi32, #tpu.memory_space<hbm>> -> memref<1x125x80xi32, #tpu.memory_space<hbm>>
      %dma_wait3A_59 = tpu.memref_squeeze %dma_wait3A_58 : memref<1x125x80xi32, #tpu.memory_space<hbm>> -> memref<125x80xi32, #tpu.memory_space<hbm>>
      %dma_wait3A_60 = arith.constant 0 : i32
      %dma_wait3A_61 = arith.constant 0 : i32
      %dma_wait3A_62 = tpu.memref_slice %arg6[%add3A, %dma_wait3A_60, %dma_wait3A_61] : memref<32x125x80xi32, #tpu.memory_space<hbm>> -> memref<1x125x80xi32, #tpu.memory_space<hbm>>
      %dma_wait3A_63 = tpu.memref_squeeze %dma_wait3A_62 : memref<1x125x80xi32, #tpu.memory_space<hbm>> -> memref<125x80xi32, #tpu.memory_space<hbm>>
      tpu.wait_dma2 semaphore(%run_scoped3A_49 : memref<!tpu.dma_semaphore, #tpu.memory_space<semaphore_mem>>) src(%dma_wait3A_63 : memref<125x80xi32, #tpu.memory_space<hbm>>) dst(%arg10 : memref<125x80xi32, #tpu.memory_space<vmem>>)
      tpu.yield
    }) : () -> ()
    %barrier3A_36 = arith.constant 0 : index
    tpu.barrier barrier_id(%barrier3A_36)
    %scan3A_37 = arith.constant 0 : i32
    %scan3A_38 = arith.constant 0 : i32
    %scan3A_39 = arith.constant 125 : i32
    %scan3A_40 = arith.addi %scan3A_38, %scan3A_39 : i32
    %scan3A_41 = arith.constant 1 : i32
    scf.for %scan3A_49 = %scan3A_38 to %scan3A_40 step %scan3A_41  : i32 {
      %dma_start3A = arith.constant 0 : i32
      %dma_start3A_50 = tpu.memref_slice %arg9[%scan3A_49, %dma_start3A] : memref<125x80xi32, #tpu.memory_space<vmem>> -> memref<1x80xi32, #tpu.memory_space<vmem>>
      %dma_start3A_51 = tpu.memref_squeeze %dma_start3A_50 : memref<1x80xi32, #tpu.memory_space<vmem>> -> memref<80xi32, #tpu.memory_space<vmem>>
      %dma_start3A_52 = arith.constant 0 : i32
      %dma_start3A_53 = arith.constant 0 : i32
      %dma_start3A_54 = tpu.memref_slice %arg4[%dma_start3A_52, %dma_start3A_53] : memref<10000x128xf32, #tpu.memory_space<hbm>> -> memref<10000x128xf32, #tpu.memory_space<hbm>>
      tpu.enqueue_indirect_dma source(%dma_start3A_54 : memref<10000x128xf32, #tpu.memory_space<hbm>>) target(%arg11 : memref<80x128xf32, #tpu.memory_space<vmem>>) offsets(%dma_start3A_51 : memref<80xi32, #tpu.memory_space<vmem>>) semaphore(%arg13 : memref<!tpu.dma_semaphore, #tpu.memory_space<semaphore_mem>>)
      %dma_wait3A = arith.constant 0 : i32
      %dma_wait3A_55 = tpu.memref_slice %arg9[%scan3A_49, %dma_wait3A] : memref<125x80xi32, #tpu.memory_space<vmem>> -> memref<1x80xi32, #tpu.memory_space<vmem>>
      %dma_wait3A_56 = tpu.memref_squeeze %dma_wait3A_55 : memref<1x80xi32, #tpu.memory_space<vmem>> -> memref<80xi32, #tpu.memory_space<vmem>>
      %dma_wait3A_57 = arith.constant 0 : i32
      %dma_wait3A_58 = arith.constant 0 : i32
      %dma_wait3A_59 = tpu.memref_slice %arg4[%dma_wait3A_57, %dma_wait3A_58] : memref<10000x128xf32, #tpu.memory_space<hbm>> -> memref<10000x128xf32, #tpu.memory_space<hbm>>
      tpu.wait_indirect_dma semaphore(%arg13 : memref<!tpu.dma_semaphore, #tpu.memory_space<semaphore_mem>>) src(%dma_wait3A_59 : memref<10000x128xf32, #tpu.memory_space<hbm>>) dst(%arg11 : memref<80x128xf32, #tpu.memory_space<vmem>>)
      "tpu.region"() ({
        %run_scoped3A_60 = tpu.sem_alloc : memref<!tpu.dma_semaphore, #tpu.memory_space<semaphore_mem>>
        %dma_start3A_61 = arith.constant 0 : i32
        %dma_start3A_62 = tpu.memref_slice %arg10[%scan3A_49, %dma_start3A_61] : memref<125x80xi32, #tpu.memory_space<vmem>> -> memref<1x80xi32, #tpu.memory_space<vmem>>
        %dma_start3A_63 = tpu.memref_squeeze %dma_start3A_62 : memref<1x80xi32, #tpu.memory_space<vmem>> -> memref<80xi32, #tpu.memory_space<vmem>>
        %dma_start3A_64 = arith.constant 0 : i32
        %dma_start3A_65 = arith.constant 0 : i32
        %dma_start3A_66 = tpu.memref_slice %arg12[%dma_start3A_64, %dma_start3A_65] : memref<10112x128xf32, #tpu.memory_space<vmem_shared>> -> memref<10112x128xf32, #tpu.memory_space<vmem_shared>>
        tpu.enqueue_indirect_dma source(%arg11 : memref<80x128xf32, #tpu.memory_space<vmem>>) target(%dma_start3A_66 : memref<10112x128xf32, #tpu.memory_space<vmem_shared>>) offsets(%dma_start3A_63 : memref<80xi32, #tpu.memory_space<vmem>>) semaphore(%run_scoped3A_60 : memref<!tpu.dma_semaphore, #tpu.memory_space<semaphore_mem>>) {add = true}
        %dma_wait3A_67 = arith.constant 0 : i32
        %dma_wait3A_68 = tpu.memref_slice %arg10[%scan3A_49, %dma_wait3A_67] : memref<125x80xi32, #tpu.memory_space<vmem>> -> memref<1x80xi32, #tpu.memory_space<vmem>>
        %dma_wait3A_69 = tpu.memref_squeeze %dma_wait3A_68 : memref<1x80xi32, #tpu.memory_space<vmem>> -> memref<80xi32, #tpu.memory_space<vmem>>
        %dma_wait3A_70 = arith.constant 0 : i32
        %dma_wait3A_71 = arith.constant 0 : i32
        %dma_wait3A_72 = tpu.memref_slice %arg12[%dma_wait3A_70, %dma_wait3A_71] : memref<10112x128xf32, #tpu.memory_space<vmem_shared>> -> memref<10112x128xf32, #tpu.memory_space<vmem_shared>>
        tpu.wait_indirect_dma semaphore(%run_scoped3A_60 : memref<!tpu.dma_semaphore, #tpu.memory_space<semaphore_mem>>) src(%arg11 : memref<80x128xf32, #tpu.memory_space<vmem>>) dst(%dma_wait3A_72 : memref<10112x128xf32, #tpu.memory_space<vmem_shared>>)
        tpu.yield
      }) : () -> ()
    }
    %scan3A_42 = arith.constant 125 : i32
    %barrier3A_43 = arith.constant 0 : index
    tpu.barrier barrier_id(%barrier3A_43)
    %mul3A_44 = arith.constant 632 : i32
    %mul3A_45 = arith.muli %arg1, %mul3A_44 : i32
    %mul3A_46 = arith.constant 632 : i32
    %mul3A_47 = arith.muli %arg1, %mul3A_46 : i32
    %run_scoped3A_48 = arith.constant 2 : i32
    "tpu.region"() ({
      %run_scoped3A_49 = tpu.sem_alloc : memref<!tpu.dma_semaphore, #tpu.memory_space<semaphore_mem>>
      %dma_start3A = arith.constant 0 : i32
      %dma_start3A_50 = tpu.memref_slice %arg8[%run_scoped3A_48, %arg0, %mul3A_47, %dma_start3A] : memref<3x2x10112x128xf32, #tpu.memory_space<hbm>> -> memref<1x1x632x128xf32, #tpu.memory_space<hbm>>
      %dma_start3A_51 = tpu.memref_squeeze %dma_start3A_50 : memref<1x1x632x128xf32, #tpu.memory_space<hbm>> -> memref<632x128xf32, #tpu.memory_space<hbm>>
      %dma_start3A_52 = arith.constant 0 : i32
      %dma_start3A_53 = tpu.memref_slice %arg12[%mul3A_45, %dma_start3A_52] : memref<10112x128xf32, #tpu.memory_space<vmem_shared>> -> memref<632x128xf32, #tpu.memory_space<vmem_shared>>
      tpu.enqueue_dma source(%dma_start3A_53 : memref<632x128xf32, #tpu.memory_space<vmem_shared>>) target(%dma_start3A_51 : memref<632x128xf32, #tpu.memory_space<hbm>>) target_semaphore(%run_scoped3A_49 : memref<!tpu.dma_semaphore, #tpu.memory_space<semaphore_mem>>)
      %dma_wait3A = arith.constant 0 : i32
      %dma_wait3A_54 = tpu.memref_slice %arg8[%run_scoped3A_48, %arg0, %mul3A_47, %dma_wait3A] : memref<3x2x10112x128xf32, #tpu.memory_space<hbm>> -> memref<1x1x632x128xf32, #tpu.memory_space<hbm>>
      %dma_wait3A_55 = tpu.memref_squeeze %dma_wait3A_54 : memref<1x1x632x128xf32, #tpu.memory_space<hbm>> -> memref<632x128xf32, #tpu.memory_space<hbm>>
      %dma_wait3A_56 = arith.constant 0 : i32
      %dma_wait3A_57 = tpu.memref_slice %arg12[%mul3A_45, %dma_wait3A_56] : memref<10112x128xf32, #tpu.memory_space<vmem_shared>> -> memref<632x128xf32, #tpu.memory_space<vmem_shared>>
      tpu.wait_dma2 semaphore(%run_scoped3A_49 : memref<!tpu.dma_semaphore, #tpu.memory_space<semaphore_mem>>) src(%dma_wait3A_57 : memref<632x128xf32, #tpu.memory_space<vmem_shared>>) dst(%dma_wait3A_55 : memref<632x128xf32, #tpu.memory_space<hbm>>)
      tpu.yield
    }) : () -> ()
    return
  }
}

#map = affine_map<(d0, d1) -> (0, 0, 0)>
#map1 = affine_map<(d0, d1) -> (0, 0)>
module attributes {stable_mosaic.version = 14 : i64} {
  func.func @_sc_degree_body(%arg0: i32, %arg1: i32, %arg2: memref<32x125x80xi32, #tpu.memory_space<hbm>>, %arg3: memref<80x128xf32, #tpu.memory_space<hbm>>, %arg4: memref<10112x128xf32, #tpu.memory_space<hbm>>, %arg5: memref<2x10112x128xf32, #tpu.memory_space<hbm>>, %arg6: memref<125x80xi32, #tpu.memory_space<vmem>>, %arg7: memref<80x128xf32, #tpu.memory_space<vmem>>, %arg8: memref<10112x128xf32, #tpu.memory_space<vmem_shared>>, %arg9: memref<!tpu.dma_semaphore, #tpu.memory_space<semaphore_mem>>) attributes {dimension_semantics = [#tpu.dimension_semantics<core_parallel>, #tpu.dimension_semantics<subcore_parallel>], iteration_bounds = array<i64: 2, 16>, scalar_prefetch = 0 : i64, scratch_operands = 4 : i64, tpu.core_type = #tpu.core_type<sc_vector_subcore>, window_params = [{transform_indices = #map}, {transform_indices = #map1}, {transform_indices = #map1}, {transform_indices = #map}]} {
    %mul3A = arith.constant 2 : i32
    %mul3A_0 = arith.muli %arg1, %mul3A : i32
    %add3A = arith.addi %mul3A_0, %arg0 : i32
    %mul3A_1 = arith.constant 632 : i32
    %mul3A_2 = arith.muli %arg1, %mul3A_1 : i32
    %mul3A_3 = arith.constant 632 : i32
    %mul3A_4 = arith.muli %arg1, %mul3A_3 : i32
    "tpu.region"() ({
      %run_scoped3A = tpu.sem_alloc : memref<!tpu.dma_semaphore, #tpu.memory_space<semaphore_mem>>
      %dma_start3A = arith.constant 0 : i32
      %dma_start3A_15 = tpu.memref_slice %arg8[%mul3A_4, %dma_start3A] : memref<10112x128xf32, #tpu.memory_space<vmem_shared>> -> memref<632x128xf32, #tpu.memory_space<vmem_shared>>
      %dma_start3A_16 = arith.constant 0 : i32
      %dma_start3A_17 = tpu.memref_slice %arg4[%mul3A_2, %dma_start3A_16] : memref<10112x128xf32, #tpu.memory_space<hbm>> -> memref<632x128xf32, #tpu.memory_space<hbm>>
      tpu.enqueue_dma source(%dma_start3A_17 : memref<632x128xf32, #tpu.memory_space<hbm>>) target(%dma_start3A_15 : memref<632x128xf32, #tpu.memory_space<vmem_shared>>) target_semaphore(%run_scoped3A : memref<!tpu.dma_semaphore, #tpu.memory_space<semaphore_mem>>)
      %dma_wait3A = arith.constant 0 : i32
      %dma_wait3A_18 = tpu.memref_slice %arg8[%mul3A_4, %dma_wait3A] : memref<10112x128xf32, #tpu.memory_space<vmem_shared>> -> memref<632x128xf32, #tpu.memory_space<vmem_shared>>
      %dma_wait3A_19 = arith.constant 0 : i32
      %dma_wait3A_20 = tpu.memref_slice %arg4[%mul3A_2, %dma_wait3A_19] : memref<10112x128xf32, #tpu.memory_space<hbm>> -> memref<632x128xf32, #tpu.memory_space<hbm>>
      tpu.wait_dma2 semaphore(%run_scoped3A : memref<!tpu.dma_semaphore, #tpu.memory_space<semaphore_mem>>) src(%dma_wait3A_20 : memref<632x128xf32, #tpu.memory_space<hbm>>) dst(%dma_wait3A_18 : memref<632x128xf32, #tpu.memory_space<vmem_shared>>)
      tpu.yield
    }) : () -> ()
    "tpu.region"() ({
      %run_scoped3A = tpu.sem_alloc : memref<!tpu.dma_semaphore, #tpu.memory_space<semaphore_mem>>
      %dma_start3A = arith.constant 0 : i32
      %dma_start3A_15 = arith.constant 0 : i32
      %dma_start3A_16 = tpu.memref_slice %arg2[%add3A, %dma_start3A, %dma_start3A_15] : memref<32x125x80xi32, #tpu.memory_space<hbm>> -> memref<1x125x80xi32, #tpu.memory_space<hbm>>
      %dma_start3A_17 = tpu.memref_squeeze %dma_start3A_16 : memref<1x125x80xi32, #tpu.memory_space<hbm>> -> memref<125x80xi32, #tpu.memory_space<hbm>>
      %dma_start3A_18 = arith.constant 0 : i32
      %dma_start3A_19 = arith.constant 0 : i32
      %dma_start3A_20 = tpu.memref_slice %arg2[%add3A, %dma_start3A_18, %dma_start3A_19] : memref<32x125x80xi32, #tpu.memory_space<hbm>> -> memref<1x125x80xi32, #tpu.memory_space<hbm>>
      %dma_start3A_21 = tpu.memref_squeeze %dma_start3A_20 : memref<1x125x80xi32, #tpu.memory_space<hbm>> -> memref<125x80xi32, #tpu.memory_space<hbm>>
      tpu.enqueue_dma source(%dma_start3A_21 : memref<125x80xi32, #tpu.memory_space<hbm>>) target(%arg6 : memref<125x80xi32, #tpu.memory_space<vmem>>) target_semaphore(%run_scoped3A : memref<!tpu.dma_semaphore, #tpu.memory_space<semaphore_mem>>)
      %dma_wait3A = arith.constant 0 : i32
      %dma_wait3A_22 = arith.constant 0 : i32
      %dma_wait3A_23 = tpu.memref_slice %arg2[%add3A, %dma_wait3A, %dma_wait3A_22] : memref<32x125x80xi32, #tpu.memory_space<hbm>> -> memref<1x125x80xi32, #tpu.memory_space<hbm>>
      %dma_wait3A_24 = tpu.memref_squeeze %dma_wait3A_23 : memref<1x125x80xi32, #tpu.memory_space<hbm>> -> memref<125x80xi32, #tpu.memory_space<hbm>>
      %dma_wait3A_25 = arith.constant 0 : i32
      %dma_wait3A_26 = arith.constant 0 : i32
      %dma_wait3A_27 = tpu.memref_slice %arg2[%add3A, %dma_wait3A_25, %dma_wait3A_26] : memref<32x125x80xi32, #tpu.memory_space<hbm>> -> memref<1x125x80xi32, #tpu.memory_space<hbm>>
      %dma_wait3A_28 = tpu.memref_squeeze %dma_wait3A_27 : memref<1x125x80xi32, #tpu.memory_space<hbm>> -> memref<125x80xi32, #tpu.memory_space<hbm>>
      tpu.wait_dma2 semaphore(%run_scoped3A : memref<!tpu.dma_semaphore, #tpu.memory_space<semaphore_mem>>) src(%dma_wait3A_28 : memref<125x80xi32, #tpu.memory_space<hbm>>) dst(%arg6 : memref<125x80xi32, #tpu.memory_space<vmem>>)
      tpu.yield
    }) : () -> ()
    "tpu.region"() ({
      %run_scoped3A = tpu.sem_alloc : memref<!tpu.dma_semaphore, #tpu.memory_space<semaphore_mem>>
      tpu.enqueue_dma source(%arg3 : memref<80x128xf32, #tpu.memory_space<hbm>>) target(%arg7 : memref<80x128xf32, #tpu.memory_space<vmem>>) target_semaphore(%run_scoped3A : memref<!tpu.dma_semaphore, #tpu.memory_space<semaphore_mem>>)
      tpu.wait_dma2 semaphore(%run_scoped3A : memref<!tpu.dma_semaphore, #tpu.memory_space<semaphore_mem>>) src(%arg3 : memref<80x128xf32, #tpu.memory_space<hbm>>) dst(%arg7 : memref<80x128xf32, #tpu.memory_space<vmem>>)
      tpu.yield
    }) : () -> ()
    %barrier3A = arith.constant 0 : index
    tpu.barrier barrier_id(%barrier3A)
    %scan3A = arith.constant 0 : i32
    %scan3A_5 = arith.constant 0 : i32
    %scan3A_6 = arith.constant 125 : i32
    %scan3A_7 = arith.addi %scan3A_5, %scan3A_6 : i32
    %scan3A_8 = arith.constant 1 : i32
    scf.for %scan3A_15 = %scan3A_5 to %scan3A_7 step %scan3A_8  : i32 {
      "tpu.region"() ({
        %run_scoped3A = tpu.sem_alloc : memref<!tpu.dma_semaphore, #tpu.memory_space<semaphore_mem>>
        %dma_start3A = arith.constant 0 : i32
        %dma_start3A_16 = tpu.memref_slice %arg6[%scan3A_15, %dma_start3A] : memref<125x80xi32, #tpu.memory_space<vmem>> -> memref<1x80xi32, #tpu.memory_space<vmem>>
        %dma_start3A_17 = tpu.memref_squeeze %dma_start3A_16 : memref<1x80xi32, #tpu.memory_space<vmem>> -> memref<80xi32, #tpu.memory_space<vmem>>
        %dma_start3A_18 = arith.constant 0 : i32
        %dma_start3A_19 = arith.constant 0 : i32
        %dma_start3A_20 = tpu.memref_slice %arg8[%dma_start3A_18, %dma_start3A_19] : memref<10112x128xf32, #tpu.memory_space<vmem_shared>> -> memref<10112x128xf32, #tpu.memory_space<vmem_shared>>
        tpu.enqueue_indirect_dma source(%arg7 : memref<80x128xf32, #tpu.memory_space<vmem>>) target(%dma_start3A_20 : memref<10112x128xf32, #tpu.memory_space<vmem_shared>>) offsets(%dma_start3A_17 : memref<80xi32, #tpu.memory_space<vmem>>) semaphore(%run_scoped3A : memref<!tpu.dma_semaphore, #tpu.memory_space<semaphore_mem>>) {add = true}
        %dma_wait3A = arith.constant 0 : i32
        %dma_wait3A_21 = tpu.memref_slice %arg6[%scan3A_15, %dma_wait3A] : memref<125x80xi32, #tpu.memory_space<vmem>> -> memref<1x80xi32, #tpu.memory_space<vmem>>
        %dma_wait3A_22 = tpu.memref_squeeze %dma_wait3A_21 : memref<1x80xi32, #tpu.memory_space<vmem>> -> memref<80xi32, #tpu.memory_space<vmem>>
        %dma_wait3A_23 = arith.constant 0 : i32
        %dma_wait3A_24 = arith.constant 0 : i32
        %dma_wait3A_25 = tpu.memref_slice %arg8[%dma_wait3A_23, %dma_wait3A_24] : memref<10112x128xf32, #tpu.memory_space<vmem_shared>> -> memref<10112x128xf32, #tpu.memory_space<vmem_shared>>
        tpu.wait_indirect_dma semaphore(%run_scoped3A : memref<!tpu.dma_semaphore, #tpu.memory_space<semaphore_mem>>) src(%arg7 : memref<80x128xf32, #tpu.memory_space<vmem>>) dst(%dma_wait3A_25 : memref<10112x128xf32, #tpu.memory_space<vmem_shared>>)
        tpu.yield
      }) : () -> ()
    }
    %scan3A_9 = arith.constant 125 : i32
    %barrier3A_10 = arith.constant 0 : index
    tpu.barrier barrier_id(%barrier3A_10)
    %mul3A_11 = arith.constant 632 : i32
    %mul3A_12 = arith.muli %arg1, %mul3A_11 : i32
    %mul3A_13 = arith.constant 632 : i32
    %mul3A_14 = arith.muli %arg1, %mul3A_13 : i32
    "tpu.region"() ({
      %run_scoped3A = tpu.sem_alloc : memref<!tpu.dma_semaphore, #tpu.memory_space<semaphore_mem>>
      %dma_start3A = arith.constant 0 : i32
      %dma_start3A_15 = tpu.memref_slice %arg5[%arg0, %mul3A_14, %dma_start3A] : memref<2x10112x128xf32, #tpu.memory_space<hbm>> -> memref<1x632x128xf32, #tpu.memory_space<hbm>>
      %dma_start3A_16 = tpu.memref_squeeze %dma_start3A_15 : memref<1x632x128xf32, #tpu.memory_space<hbm>> -> memref<632x128xf32, #tpu.memory_space<hbm>>
      %dma_start3A_17 = arith.constant 0 : i32
      %dma_start3A_18 = tpu.memref_slice %arg8[%mul3A_12, %dma_start3A_17] : memref<10112x128xf32, #tpu.memory_space<vmem_shared>> -> memref<632x128xf32, #tpu.memory_space<vmem_shared>>
      tpu.enqueue_dma source(%dma_start3A_18 : memref<632x128xf32, #tpu.memory_space<vmem_shared>>) target(%dma_start3A_16 : memref<632x128xf32, #tpu.memory_space<hbm>>) target_semaphore(%run_scoped3A : memref<!tpu.dma_semaphore, #tpu.memory_space<semaphore_mem>>)
      %dma_wait3A = arith.constant 0 : i32
      %dma_wait3A_19 = tpu.memref_slice %arg5[%arg0, %mul3A_14, %dma_wait3A] : memref<2x10112x128xf32, #tpu.memory_space<hbm>> -> memref<1x632x128xf32, #tpu.memory_space<hbm>>
      %dma_wait3A_20 = tpu.memref_squeeze %dma_wait3A_19 : memref<1x632x128xf32, #tpu.memory_space<hbm>> -> memref<632x128xf32, #tpu.memory_space<hbm>>
      %dma_wait3A_21 = arith.constant 0 : i32
      %dma_wait3A_22 = tpu.memref_slice %arg8[%mul3A_12, %dma_wait3A_21] : memref<10112x128xf32, #tpu.memory_space<vmem_shared>> -> memref<632x128xf32, #tpu.memory_space<vmem_shared>>
      tpu.wait_dma2 semaphore(%run_scoped3A : memref<!tpu.dma_semaphore, #tpu.memory_space<semaphore_mem>>) src(%dma_wait3A_22 : memref<632x128xf32, #tpu.memory_space<vmem_shared>>) dst(%dma_wait3A_20 : memref<632x128xf32, #tpu.memory_space<hbm>>)
      tpu.yield
    }) : () -> ()
    return
  }
}

module attributes {stable_mosaic.version = 14 : i64} {
  func.func @_dinv_body(%arg0: memref<2x10112x128xf32, #tpu.memory_space<vmem>>, %arg1: memref<10000x1xf32, #tpu.memory_space<vmem>>) attributes {dimension_semantics = [], scalar_prefetch = 0 : i64, scratch_operands = 0 : i64, tpu.core_type = #tpu.core_type<tc>} {
    %get3A = arith.constant 0 : index
    %get3A_0 = arith.constant 0 : index
    %get3A_1 = arith.constant 0 : index
    %get3A_2 = vector.load %arg0[%get3A, %get3A_0, %get3A_1] : memref<2x10112x128xf32, #tpu.memory_space<vmem>>, vector<1x10000x1xf32>
    %get3A_3 = vector.shape_cast %get3A_2 : vector<1x10000x1xf32> to vector<10000xf32>
    %get3A_4 = arith.constant 1 : index
    %get3A_5 = arith.constant 0 : index
    %get3A_6 = arith.constant 0 : index
    %get3A_7 = vector.load %arg0[%get3A_4, %get3A_5, %get3A_6] : memref<2x10112x128xf32, #tpu.memory_space<vmem>>, vector<1x10000x1xf32>
    %get3A_8 = vector.shape_cast %get3A_7 : vector<1x10000x1xf32> to vector<10000xf32>
    %add3A = arith.addf %get3A_3, %get3A_8 : vector<10000xf32>
    %add3A_9 = arith.constant 1.000000e+00 : f32
    %add3A_10 = vector.broadcast %add3A_9 : f32 to vector<10000xf32>
    %add3A_11 = arith.addf %add3A, %add3A_10 : vector<10000xf32>
    %rsqrt3A = math.rsqrt %add3A_11 : vector<10000xf32>
    %broadcast_in_dim3A = vector.shape_cast %rsqrt3A : vector<10000xf32> to vector<10000x1xf32>
    %swap3A = arith.constant 0 : index
    %swap3A_12 = arith.constant 0 : index
    %swap3A_13 = vector.load %arg1[%swap3A, %swap3A_12] : memref<10000x1xf32, #tpu.memory_space<vmem>>, vector<10000x1xf32>
    tpu.vector_store %arg1[%swap3A, %swap3A_12], %broadcast_in_dim3A {strides = array<i32>} : memref<10000x1xf32, #tpu.memory_space<vmem>>, vector<10000x1xf32>,
    return
  }
}

module attributes {stable_mosaic.version = 14 : i64} {
  func.func @_wchain_body(%arg0: memref<128x128xf32, #tpu.memory_space<vmem>>, %arg1: memref<128x128xf32, #tpu.memory_space<vmem>>, %arg2: memref<128x128xf32, #tpu.memory_space<vmem>>, %arg3: memref<128x128xf32, #tpu.memory_space<vmem>>, %arg4: memref<128x128xf32, #tpu.memory_space<vmem>>, %arg5: memref<128x128xf32, #tpu.memory_space<vmem>>, %arg6: memref<128x128xf32, #tpu.memory_space<vmem>>, %arg7: memref<128x128xf32, #tpu.memory_space<vmem>>, %arg8: memref<128x128xf32, #tpu.memory_space<vmem>>, %arg9: memref<128x128xf32, #tpu.memory_space<vmem>>, %arg10: memref<3x128x128xf32, #tpu.memory_space<vmem>>) attributes {dimension_semantics = [], scalar_prefetch = 0 : i64, scratch_operands = 0 : i64, tpu.core_type = #tpu.core_type<tc>} {
    %get3A = arith.constant 0 : index
    %get3A_0 = arith.constant 0 : index
    %get3A_1 = vector.load %arg0[%get3A, %get3A_0] : memref<128x128xf32, #tpu.memory_space<vmem>>, vector<128x128xf32>
    %get3A_2 = arith.constant 0 : index
    %get3A_3 = arith.constant 0 : index
    %get3A_4 = vector.load %arg1[%get3A_2, %get3A_3] : memref<128x128xf32, #tpu.memory_space<vmem>>, vector<128x128xf32>
    %dot_general3A = arith.constant dense<0.000000e+00> : vector<128x128xf32>
    %dot_general3A_5 = tpu.matmul %get3A_4, %get3A_1, %dot_general3A {dimension_numbers = #tpu.dot_dimension_numbers<[1], [0], [0], [1], [0, 0, 1, 1], [], []>, transpose_lhs_hint = false} : vector<128x128xf32>, vector<128x128xf32>, vector<128x128xf32> -> vector<128x128xf32>
    %get3A_6 = arith.constant 0 : index
    %get3A_7 = arith.constant 0 : index
    %get3A_8 = vector.load %arg2[%get3A_6, %get3A_7] : memref<128x128xf32, #tpu.memory_space<vmem>>, vector<128x128xf32>
    %dot_general3A_9 = arith.constant dense<0.000000e+00> : vector<128x128xf32>
    %dot_general3A_10 = tpu.matmul %get3A_8, %get3A_1, %dot_general3A_9 {dimension_numbers = #tpu.dot_dimension_numbers<[1], [0], [0], [1], [0, 0, 1, 1], [], []>, transpose_lhs_hint = false} : vector<128x128xf32>, vector<128x128xf32>, vector<128x128xf32> -> vector<128x128xf32>
    %add3A = arith.addf %dot_general3A_5, %dot_general3A_10 : vector<128x128xf32>
    %get3A_11 = arith.constant 0 : index
    %get3A_12 = arith.constant 0 : index
    %get3A_13 = vector.load %arg3[%get3A_11, %get3A_12] : memref<128x128xf32, #tpu.memory_space<vmem>>, vector<128x128xf32>
    %add3A_14 = arith.addf %add3A, %get3A_13 : vector<128x128xf32>
    %logistic3A = arith.negf %add3A_14 : vector<128x128xf32>
    %logistic3A_15 = math.exp %logistic3A : vector<128x128xf32>
    %logistic3A_16 = arith.constant 1.000000e+00 : f32
    %logistic3A_17 = vector.broadcast %logistic3A_16 : f32 to vector<128x128xf32>
    %logistic3A_18 = arith.addf %logistic3A_17, %logistic3A_15 : vector<128x128xf32>
    %logistic3A_19 = arith.divf %logistic3A_17, %logistic3A_18 : vector<128x128xf32>
    %get3A_20 = arith.constant 0 : index
    %get3A_21 = arith.constant 0 : index
    %get3A_22 = vector.load %arg4[%get3A_20, %get3A_21] : memref<128x128xf32, #tpu.memory_space<vmem>>, vector<128x128xf32>
    %dot_general3A_23 = arith.constant dense<0.000000e+00> : vector<128x128xf32>
    %dot_general3A_24 = tpu.matmul %get3A_22, %get3A_1, %dot_general3A_23 {dimension_numbers = #tpu.dot_dimension_numbers<[1], [0], [0], [1], [0, 0, 1, 1], [], []>, transpose_lhs_hint = false} : vector<128x128xf32>, vector<128x128xf32>, vector<128x128xf32> -> vector<128x128xf32>
    %get3A_25 = arith.constant 0 : index
    %get3A_26 = arith.constant 0 : index
    %get3A_27 = vector.load %arg5[%get3A_25, %get3A_26] : memref<128x128xf32, #tpu.memory_space<vmem>>, vector<128x128xf32>
    %dot_general3A_28 = arith.constant dense<0.000000e+00> : vector<128x128xf32>
    %dot_general3A_29 = tpu.matmul %get3A_27, %get3A_1, %dot_general3A_28 {dimension_numbers = #tpu.dot_dimension_numbers<[1], [0], [0], [1], [0, 0, 1, 1], [], []>, transpose_lhs_hint = false} : vector<128x128xf32>, vector<128x128xf32>, vector<128x128xf32> -> vector<128x128xf32>
    %add3A_30 = arith.addf %dot_general3A_24, %dot_general3A_29 : vector<128x128xf32>
    %get3A_31 = arith.constant 0 : index
    %get3A_32 = arith.constant 0 : index
    %get3A_33 = vector.load %arg6[%get3A_31, %get3A_32] : memref<128x128xf32, #tpu.memory_space<vmem>>, vector<128x128xf32>
    %add3A_34 = arith.addf %add3A_30, %get3A_33 : vector<128x128xf32>
    %logistic3A_35 = arith.negf %add3A_34 : vector<128x128xf32>
    %logistic3A_36 = math.exp %logistic3A_35 : vector<128x128xf32>
    %logistic3A_37 = arith.constant 1.000000e+00 : f32
    %logistic3A_38 = vector.broadcast %logistic3A_37 : f32 to vector<128x128xf32>
    %logistic3A_39 = arith.addf %logistic3A_38, %logistic3A_36 : vector<128x128xf32>
    %logistic3A_40 = arith.divf %logistic3A_38, %logistic3A_39 : vector<128x128xf32>
    %get3A_41 = arith.constant 0 : index
    %get3A_42 = arith.constant 0 : index
    %get3A_43 = vector.load %arg7[%get3A_41, %get3A_42] : memref<128x128xf32, #tpu.memory_space<vmem>>, vector<128x128xf32>
    %dot_general3A_44 = arith.constant dense<0.000000e+00> : vector<128x128xf32>
    %dot_general3A_45 = tpu.matmul %get3A_43, %get3A_1, %dot_general3A_44 {dimension_numbers = #tpu.dot_dimension_numbers<[1], [0], [0], [1], [0, 0, 1, 1], [], []>, transpose_lhs_hint = false} : vector<128x128xf32>, vector<128x128xf32>, vector<128x128xf32> -> vector<128x128xf32>
    %get3A_46 = arith.constant 0 : index
    %get3A_47 = arith.constant 0 : index
    %get3A_48 = vector.load %arg8[%get3A_46, %get3A_47] : memref<128x128xf32, #tpu.memory_space<vmem>>, vector<128x128xf32>
    %mul3A = arith.mulf %logistic3A_40, %get3A_1 : vector<128x128xf32>
    %dot_general3A_49 = arith.constant dense<0.000000e+00> : vector<128x128xf32>
    %dot_general3A_50 = tpu.matmul %get3A_48, %mul3A, %dot_general3A_49 {dimension_numbers = #tpu.dot_dimension_numbers<[1], [0], [0], [1], [0, 0, 1, 1], [], []>, transpose_lhs_hint = false} : vector<128x128xf32>, vector<128x128xf32>, vector<128x128xf32> -> vector<128x128xf32>
    %add3A_51 = arith.addf %dot_general3A_45, %dot_general3A_50 : vector<128x128xf32>
    %get3A_52 = arith.constant 0 : index
    %get3A_53 = arith.constant 0 : index
    %get3A_54 = vector.load %arg9[%get3A_52, %get3A_53] : memref<128x128xf32, #tpu.memory_space<vmem>>, vector<128x128xf32>
    %add3A_55 = arith.addf %add3A_51, %get3A_54 : vector<128x128xf32>
    %tanh3A = math.tanh %add3A_55 : vector<128x128xf32>
    %sub3A = arith.constant 1.000000e+00 : f32
    %sub3A_56 = vector.broadcast %sub3A : f32 to vector<128x128xf32>
    %sub3A_57 = arith.subf %sub3A_56, %logistic3A_19 : vector<128x128xf32>
    %mul3A_58 = arith.mulf %sub3A_57, %get3A_1 : vector<128x128xf32>
    %mul3A_59 = arith.mulf %logistic3A_19, %tanh3A : vector<128x128xf32>
    %add3A_60 = arith.addf %mul3A_58, %mul3A_59 : vector<128x128xf32>
    %swap3A = arith.constant 0 : index
    %swap3A_61 = arith.constant 0 : index
    %swap3A_62 = arith.constant 0 : index
    %swap3A_63 = vector.load %arg10[%swap3A, %swap3A_61, %swap3A_62] : memref<3x128x128xf32, #tpu.memory_space<vmem>>, vector<1x128x128xf32>
    %swap3A_64 = vector.shape_cast %swap3A_63 : vector<1x128x128xf32> to vector<128x128xf32>
    %swap3A_65 = vector.shape_cast %add3A_60 : vector<128x128xf32> to vector<1x128x128xf32>
    tpu.vector_store %arg10[%swap3A, %swap3A_61, %swap3A_62], %swap3A_65 {strides = array<i32>} : memref<3x128x128xf32, #tpu.memory_space<vmem>>, vector<1x128x128xf32>,
    %get3A_66 = arith.constant 0 : index
    %get3A_67 = arith.constant 0 : index
    %get3A_68 = vector.load %arg1[%get3A_66, %get3A_67] : memref<128x128xf32, #tpu.memory_space<vmem>>, vector<128x128xf32>
    %dot_general3A_69 = arith.constant dense<0.000000e+00> : vector<128x128xf32>
    %dot_general3A_70 = tpu.matmul %get3A_68, %add3A_60, %dot_general3A_69 {dimension_numbers = #tpu.dot_dimension_numbers<[1], [0], [0], [1], [0, 0, 1, 1], [], []>, transpose_lhs_hint = false} : vector<128x128xf32>, vector<128x128xf32>, vector<128x128xf32> -> vector<128x128xf32>
    %get3A_71 = arith.constant 0 : index
    %get3A_72 = arith.constant 0 : index
    %get3A_73 = vector.load %arg2[%get3A_71, %get3A_72] : memref<128x128xf32, #tpu.memory_space<vmem>>, vector<128x128xf32>
    %dot_general3A_74 = arith.constant dense<0.000000e+00> : vector<128x128xf32>
    %dot_general3A_75 = tpu.matmul %get3A_73, %add3A_60, %dot_general3A_74 {dimension_numbers = #tpu.dot_dimension_numbers<[1], [0], [0], [1], [0, 0, 1, 1], [], []>, transpose_lhs_hint = false} : vector<128x128xf32>, vector<128x128xf32>, vector<128x128xf32> -> vector<128x128xf32>
    %add3A_76 = arith.addf %dot_general3A_70, %dot_general3A_75 : vector<128x128xf32>
    %get3A_77 = arith.constant 0 : index
    %get3A_78 = arith.constant 0 : index
    %get3A_79 = vector.load %arg3[%get3A_77, %get3A_78] : memref<128x128xf32, #tpu.memory_space<vmem>>, vector<128x128xf32>
    %add3A_80 = arith.addf %add3A_76, %get3A_79 : vector<128x128xf32>
    %logistic3A_81 = arith.negf %add3A_80 : vector<128x128xf32>
    %logistic3A_82 = math.exp %logistic3A_81 : vector<128x128xf32>
    %logistic3A_83 = arith.constant 1.000000e+00 : f32
    %logistic3A_84 = vector.broadcast %logistic3A_83 : f32 to vector<128x128xf32>
    %logistic3A_85 = arith.addf %logistic3A_84, %logistic3A_82 : vector<128x128xf32>
    %logistic3A_86 = arith.divf %logistic3A_84, %logistic3A_85 : vector<128x128xf32>
    %get3A_87 = arith.constant 0 : index
    %get3A_88 = arith.constant 0 : index
    %get3A_89 = vector.load %arg4[%get3A_87, %get3A_88] : memref<128x128xf32, #tpu.memory_space<vmem>>, vector<128x128xf32>
    %dot_general3A_90 = arith.constant dense<0.000000e+00> : vector<128x128xf32>
    %dot_general3A_91 = tpu.matmul %get3A_89, %add3A_60, %dot_general3A_90 {dimension_numbers = #tpu.dot_dimension_numbers<[1], [0], [0], [1], [0, 0, 1, 1], [], []>, transpose_lhs_hint = false} : vector<128x128xf32>, vector<128x128xf32>, vector<128x128xf32> -> vector<128x128xf32>
    %get3A_92 = arith.constant 0 : index
    %get3A_93 = arith.constant 0 : index
    %get3A_94 = vector.load %arg5[%get3A_92, %get3A_93] : memref<128x128xf32, #tpu.memory_space<vmem>>, vector<128x128xf32>
    %dot_general3A_95 = arith.constant dense<0.000000e+00> : vector<128x128xf32>
    %dot_general3A_96 = tpu.matmul %get3A_94, %add3A_60, %dot_general3A_95 {dimension_numbers = #tpu.dot_dimension_numbers<[1], [0], [0], [1], [0, 0, 1, 1], [], []>, transpose_lhs_hint = false} : vector<128x128xf32>, vector<128x128xf32>, vector<128x128xf32> -> vector<128x128xf32>
    %add3A_97 = arith.addf %dot_general3A_91, %dot_general3A_96 : vector<128x128xf32>
    %get3A_98 = arith.constant 0 : index
    %get3A_99 = arith.constant 0 : index
    %get3A_100 = vector.load %arg6[%get3A_98, %get3A_99] : memref<128x128xf32, #tpu.memory_space<vmem>>, vector<128x128xf32>
    %add3A_101 = arith.addf %add3A_97, %get3A_100 : vector<128x128xf32>
    %logistic3A_102 = arith.negf %add3A_101 : vector<128x128xf32>
    %logistic3A_103 = math.exp %logistic3A_102 : vector<128x128xf32>
    %logistic3A_104 = arith.constant 1.000000e+00 : f32
    %logistic3A_105 = vector.broadcast %logistic3A_104 : f32 to vector<128x128xf32>
    %logistic3A_106 = arith.addf %logistic3A_105, %logistic3A_103 : vector<128x128xf32>
    %logistic3A_107 = arith.divf %logistic3A_105, %logistic3A_106 : vector<128x128xf32>
    %get3A_108 = arith.constant 0 : index
    %get3A_109 = arith.constant 0 : index
    %get3A_110 = vector.load %arg7[%get3A_108, %get3A_109] : memref<128x128xf32, #tpu.memory_space<vmem>>, vector<128x128xf32>
    %dot_general3A_111 = arith.constant dense<0.000000e+00> : vector<128x128xf32>
    %dot_general3A_112 = tpu.matmul %get3A_110, %add3A_60, %dot_general3A_111 {dimension_numbers = #tpu.dot_dimension_numbers<[1], [0], [0], [1], [0, 0, 1, 1], [], []>, transpose_lhs_hint = false} : vector<128x128xf32>, vector<128x128xf32>, vector<128x128xf32> -> vector<128x128xf32>
    %get3A_113 = arith.constant 0 : index
    %get3A_114 = arith.constant 0 : index
    %get3A_115 = vector.load %arg8[%get3A_113, %get3A_114] : memref<128x128xf32, #tpu.memory_space<vmem>>, vector<128x128xf32>
    %mul3A_116 = arith.mulf %logistic3A_107, %add3A_60 : vector<128x128xf32>
    %dot_general3A_117 = arith.constant dense<0.000000e+00> : vector<128x128xf32>
    %dot_general3A_118 = tpu.matmul %get3A_115, %mul3A_116, %dot_general3A_117 {dimension_numbers = #tpu.dot_dimension_numbers<[1], [0], [0], [1], [0, 0, 1, 1], [], []>, transpose_lhs_hint = false} : vector<128x128xf32>, vector<128x128xf32>, vector<128x128xf32> -> vector<128x128xf32>
    %add3A_119 = arith.addf %dot_general3A_112, %dot_general3A_118 : vector<128x128xf32>
    %get3A_120 = arith.constant 0 : index
    %get3A_121 = arith.constant 0 : index
    %get3A_122 = vector.load %arg9[%get3A_120, %get3A_121] : memref<128x128xf32, #tpu.memory_space<vmem>>, vector<128x128xf32>
    %add3A_123 = arith.addf %add3A_119, %get3A_122 : vector<128x128xf32>
    %tanh3A_124 = math.tanh %add3A_123 : vector<128x128xf32>
    %sub3A_125 = arith.constant 1.000000e+00 : f32
    %sub3A_126 = vector.broadcast %sub3A_125 : f32 to vector<128x128xf32>
    %sub3A_127 = arith.subf %sub3A_126, %logistic3A_86 : vector<128x128xf32>
    %mul3A_128 = arith.mulf %sub3A_127, %add3A_60 : vector<128x128xf32>
    %mul3A_129 = arith.mulf %logistic3A_86, %tanh3A_124 : vector<128x128xf32>
    %add3A_130 = arith.addf %mul3A_128, %mul3A_129 : vector<128x128xf32>
    %swap3A_131 = arith.constant 1 : index
    %swap3A_132 = arith.constant 0 : index
    %swap3A_133 = arith.constant 0 : index
    %swap3A_134 = vector.load %arg10[%swap3A_131, %swap3A_132, %swap3A_133] : memref<3x128x128xf32, #tpu.memory_space<vmem>>, vector<1x128x128xf32>
    %swap3A_135 = vector.shape_cast %swap3A_134 : vector<1x128x128xf32> to vector<128x128xf32>
    %swap3A_136 = vector.shape_cast %add3A_130 : vector<128x128xf32> to vector<1x128x128xf32>
    tpu.vector_store %arg10[%swap3A_131, %swap3A_132, %swap3A_133], %swap3A_136 {strides = array<i32>} : memref<3x128x128xf32, #tpu.memory_space<vmem>>, vector<1x128x128xf32>,
    %get3A_137 = arith.constant 0 : index
    %get3A_138 = arith.constant 0 : index
    %get3A_139 = vector.load %arg1[%get3A_137, %get3A_138] : memref<128x128xf32, #tpu.memory_space<vmem>>, vector<128x128xf32>
    %dot_general3A_140 = arith.constant dense<0.000000e+00> : vector<128x128xf32>
    %dot_general3A_141 = tpu.matmul %get3A_139, %add3A_130, %dot_general3A_140 {dimension_numbers = #tpu.dot_dimension_numbers<[1], [0], [0], [1], [0, 0, 1, 1], [], []>, transpose_lhs_hint = false} : vector<128x128xf32>, vector<128x128xf32>, vector<128x128xf32> -> vector<128x128xf32>
    %get3A_142 = arith.constant 0 : index
    %get3A_143 = arith.constant 0 : index
    %get3A_144 = vector.load %arg2[%get3A_142, %get3A_143] : memref<128x128xf32, #tpu.memory_space<vmem>>, vector<128x128xf32>
    %dot_general3A_145 = arith.constant dense<0.000000e+00> : vector<128x128xf32>
    %dot_general3A_146 = tpu.matmul %get3A_144, %add3A_130, %dot_general3A_145 {dimension_numbers = #tpu.dot_dimension_numbers<[1], [0], [0], [1], [0, 0, 1, 1], [], []>, transpose_lhs_hint = false} : vector<128x128xf32>, vector<128x128xf32>, vector<128x128xf32> -> vector<128x128xf32>
    %add3A_147 = arith.addf %dot_general3A_141, %dot_general3A_146 : vector<128x128xf32>
    %get3A_148 = arith.constant 0 : index
    %get3A_149 = arith.constant 0 : index
    %get3A_150 = vector.load %arg3[%get3A_148, %get3A_149] : memref<128x128xf32, #tpu.memory_space<vmem>>, vector<128x128xf32>
    %add3A_151 = arith.addf %add3A_147, %get3A_150 : vector<128x128xf32>
    %logistic3A_152 = arith.negf %add3A_151 : vector<128x128xf32>
    %logistic3A_153 = math.exp %logistic3A_152 : vector<128x128xf32>
    %logistic3A_154 = arith.constant 1.000000e+00 : f32
    %logistic3A_155 = vector.broadcast %logistic3A_154 : f32 to vector<128x128xf32>
    %logistic3A_156 = arith.addf %logistic3A_155, %logistic3A_153 : vector<128x128xf32>
    %logistic3A_157 = arith.divf %logistic3A_155, %logistic3A_156 : vector<128x128xf32>
    %get3A_158 = arith.constant 0 : index
    %get3A_159 = arith.constant 0 : index
    %get3A_160 = vector.load %arg4[%get3A_158, %get3A_159] : memref<128x128xf32, #tpu.memory_space<vmem>>, vector<128x128xf32>
    %dot_general3A_161 = arith.constant dense<0.000000e+00> : vector<128x128xf32>
    %dot_general3A_162 = tpu.matmul %get3A_160, %add3A_130, %dot_general3A_161 {dimension_numbers = #tpu.dot_dimension_numbers<[1], [0], [0], [1], [0, 0, 1, 1], [], []>, transpose_lhs_hint = false} : vector<128x128xf32>, vector<128x128xf32>, vector<128x128xf32> -> vector<128x128xf32>
    %get3A_163 = arith.constant 0 : index
    %get3A_164 = arith.constant 0 : index
    %get3A_165 = vector.load %arg5[%get3A_163, %get3A_164] : memref<128x128xf32, #tpu.memory_space<vmem>>, vector<128x128xf32>
    %dot_general3A_166 = arith.constant dense<0.000000e+00> : vector<128x128xf32>
    %dot_general3A_167 = tpu.matmul %get3A_165, %add3A_130, %dot_general3A_166 {dimension_numbers = #tpu.dot_dimension_numbers<[1], [0], [0], [1], [0, 0, 1, 1], [], []>, transpose_lhs_hint = false} : vector<128x128xf32>, vector<128x128xf32>, vector<128x128xf32> -> vector<128x128xf32>
    %add3A_168 = arith.addf %dot_general3A_162, %dot_general3A_167 : vector<128x128xf32>
    %get3A_169 = arith.constant 0 : index
    %get3A_170 = arith.constant 0 : index
    %get3A_171 = vector.load %arg6[%get3A_169, %get3A_170] : memref<128x128xf32, #tpu.memory_space<vmem>>, vector<128x128xf32>
    %add3A_172 = arith.addf %add3A_168, %get3A_171 : vector<128x128xf32>
    %logistic3A_173 = arith.negf %add3A_172 : vector<128x128xf32>
    %logistic3A_174 = math.exp %logistic3A_173 : vector<128x128xf32>
    %logistic3A_175 = arith.constant 1.000000e+00 : f32
    %logistic3A_176 = vector.broadcast %logistic3A_175 : f32 to vector<128x128xf32>
    %logistic3A_177 = arith.addf %logistic3A_176, %logistic3A_174 : vector<128x128xf32>
    %logistic3A_178 = arith.divf %logistic3A_176, %logistic3A_177 : vector<128x128xf32>
    %get3A_179 = arith.constant 0 : index
    %get3A_180 = arith.constant 0 : index
    %get3A_181 = vector.load %arg7[%get3A_179, %get3A_180] : memref<128x128xf32, #tpu.memory_space<vmem>>, vector<128x128xf32>
    %dot_general3A_182 = arith.constant dense<0.000000e+00> : vector<128x128xf32>
    %dot_general3A_183 = tpu.matmul %get3A_181, %add3A_130, %dot_general3A_182 {dimension_numbers = #tpu.dot_dimension_numbers<[1], [0], [0], [1], [0, 0, 1, 1], [], []>, transpose_lhs_hint = false} : vector<128x128xf32>, vector<128x128xf32>, vector<128x128xf32> -> vector<128x128xf32>
    %get3A_184 = arith.constant 0 : index
    %get3A_185 = arith.constant 0 : index
    %get3A_186 = vector.load %arg8[%get3A_184, %get3A_185] : memref<128x128xf32, #tpu.memory_space<vmem>>, vector<128x128xf32>
    %mul3A_187 = arith.mulf %logistic3A_178, %add3A_130 : vector<128x128xf32>
    %dot_general3A_188 = arith.constant dense<0.000000e+00> : vector<128x128xf32>
    %dot_general3A_189 = tpu.matmul %get3A_186, %mul3A_187, %dot_general3A_188 {dimension_numbers = #tpu.dot_dimension_numbers<[1], [0], [0], [1], [0, 0, 1, 1], [], []>, transpose_lhs_hint = false} : vector<128x128xf32>, vector<128x128xf32>, vector<128x128xf32> -> vector<128x128xf32>
    %add3A_190 = arith.addf %dot_general3A_183, %dot_general3A_189 : vector<128x128xf32>
    %get3A_191 = arith.constant 0 : index
    %get3A_192 = arith.constant 0 : index
    %get3A_193 = vector.load %arg9[%get3A_191, %get3A_192] : memref<128x128xf32, #tpu.memory_space<vmem>>, vector<128x128xf32>
    %add3A_194 = arith.addf %add3A_190, %get3A_193 : vector<128x128xf32>
    %tanh3A_195 = math.tanh %add3A_194 : vector<128x128xf32>
    %sub3A_196 = arith.constant 1.000000e+00 : f32
    %sub3A_197 = vector.broadcast %sub3A_196 : f32 to vector<128x128xf32>
    %sub3A_198 = arith.subf %sub3A_197, %logistic3A_157 : vector<128x128xf32>
    %mul3A_199 = arith.mulf %sub3A_198, %add3A_130 : vector<128x128xf32>
    %mul3A_200 = arith.mulf %logistic3A_157, %tanh3A_195 : vector<128x128xf32>
    %add3A_201 = arith.addf %mul3A_199, %mul3A_200 : vector<128x128xf32>
    %swap3A_202 = arith.constant 2 : index
    %swap3A_203 = arith.constant 0 : index
    %swap3A_204 = arith.constant 0 : index
    %swap3A_205 = vector.load %arg10[%swap3A_202, %swap3A_203, %swap3A_204] : memref<3x128x128xf32, #tpu.memory_space<vmem>>, vector<1x128x128xf32>
    %swap3A_206 = vector.shape_cast %swap3A_205 : vector<1x128x128xf32> to vector<128x128xf32>
    %swap3A_207 = vector.shape_cast %add3A_201 : vector<128x128xf32> to vector<1x128x128xf32>
    tpu.vector_store %arg10[%swap3A_202, %swap3A_203, %swap3A_204], %swap3A_207 {strides = array<i32>} : memref<3x128x128xf32, #tpu.memory_space<vmem>>, vector<1x128x128xf32>,
    return
  }
}

module attributes {stable_mosaic.version = 14 : i64} {
  func.func @_g_body(%arg0: i32, %arg1: i32, %arg2: memref<1x1000x128xf32, #tpu.memory_space<vmem>>, %arg3: memref<128x128xf32, #tpu.memory_space<vmem>>, %arg4: memref<1x128x128xf32, #tpu.memory_space<vmem>>, %arg5: memref<1000x1xf32, #tpu.memory_space<vmem>>, %arg6: memref<1x1000x128xf32, #tpu.memory_space<vmem>>) attributes {dimension_semantics = [#tpu.dimension_semantics<arbitrary>, #tpu.dimension_semantics<arbitrary>], iteration_bounds = array<i64: 3, 10>, scalar_prefetch = 0 : i64, scratch_operands = 0 : i64, tpu.core_type = #tpu.core_type<tc>, window_params = [{transform_indices = @transform_0, window_bounds = array<i64: 1, 1000, 128>}, {pipeline_mode = #tpu.pipeline_mode<synchronous>, transform_indices = @transform_1, window_bounds = array<i64: 128, 128>}, {transform_indices = @transform_2, window_bounds = array<i64: 1, 128, 128>}, {transform_indices = @transform_3, window_bounds = array<i64: 1000, 1>}, {transform_indices = @transform_4, window_bounds = array<i64: 1, 1000, 128>}]} {
    %get3A = arith.constant 0 : index
    %get3A_0 = arith.constant 0 : index
    %get3A_1 = arith.constant 0 : index
    %get3A_2 = vector.load %arg2[%get3A, %get3A_0, %get3A_1] : memref<1x1000x128xf32, #tpu.memory_space<vmem>>, vector<1x1000x128xf32>
    %get3A_3 = vector.shape_cast %get3A_2 : vector<1x1000x128xf32> to vector<1000x128xf32>
    %get3A_4 = arith.constant 0 : index
    %get3A_5 = arith.constant 0 : index
    %get3A_6 = vector.load %arg3[%get3A_4, %get3A_5] : memref<128x128xf32, #tpu.memory_space<vmem>>, vector<128x128xf32>
    %dot_general3A = arith.constant dense<0.000000e+00> : vector<1000x128xf32>
    %dot_general3A_7 = tpu.matmul %get3A_3, %get3A_6, %dot_general3A {dimension_numbers = #tpu.dot_dimension_numbers<[1], [1], [0], [0], [0, 0, 1, 0], [], []>, transpose_lhs_hint = false} : vector<1000x128xf32>, vector<128x128xf32>, vector<1000x128xf32> -> vector<1000x128xf32>
    %get3A_8 = arith.constant 0 : index
    %get3A_9 = arith.constant 0 : index
    %get3A_10 = arith.constant 0 : index
    %get3A_11 = vector.load %arg4[%get3A_8, %get3A_9, %get3A_10] : memref<1x128x128xf32, #tpu.memory_space<vmem>>, vector<1x128x128xf32>
    %get3A_12 = vector.shape_cast %get3A_11 : vector<1x128x128xf32> to vector<128x128xf32>
    %dot_general3A_13 = arith.constant dense<0.000000e+00> : vector<1000x128xf32>
    %dot_general3A_14 = tpu.matmul %dot_general3A_7, %get3A_12, %dot_general3A_13 {dimension_numbers = #tpu.dot_dimension_numbers<[1], [0], [0], [1], [0, 0, 1, 1], [], []>, transpose_lhs_hint = false} : vector<1000x128xf32>, vector<128x128xf32>, vector<1000x128xf32> -> vector<1000x128xf32>
    %get3A_15 = arith.constant 0 : index
    %get3A_16 = arith.constant 0 : index
    %get3A_17 = vector.load %arg5[%get3A_15, %get3A_16] : memref<1000x1xf32, #tpu.memory_space<vmem>>, vector<1000x1xf32>
    %mul3A = vector.broadcast %get3A_17 : vector<1000x1xf32> to vector<1000x128xf32>
    %mul3A_18 = arith.mulf %dot_general3A_14, %mul3A : vector<1000x128xf32>
    %swap3A = arith.constant 0 : index
    %swap3A_19 = arith.constant 0 : index
    %swap3A_20 = arith.constant 0 : index
    %swap3A_21 = vector.load %arg6[%swap3A, %swap3A_19, %swap3A_20] : memref<1x1000x128xf32, #tpu.memory_space<vmem>>, vector<1x1000x128xf32>
    %swap3A_22 = vector.shape_cast %swap3A_21 : vector<1x1000x128xf32> to vector<1000x128xf32>
    %swap3A_23 = vector.shape_cast %mul3A_18 : vector<1000x128xf32> to vector<1x1000x128xf32>
    tpu.vector_store %arg6[%swap3A, %swap3A_19, %swap3A_20], %swap3A_23 {strides = array<i32>} : memref<1x1000x128xf32, #tpu.memory_space<vmem>>, vector<1x1000x128xf32>,
    return
  }
  func.func @transform_0(%arg0: i32, %arg1: i32) -> (i32, i32, i32) {
    %c0_i32 = arith.constant 0 : i32
    %c0_i32_0 = arith.constant 0 : i32
    return %arg0, %arg1, %c0_i32 : i32, i32, i32
  }
  func.func @transform_1(%arg0: i32, %arg1: i32) -> (i32, i32) {
    %c0_i32 = arith.constant 0 : i32
    %c0_i32_0 = arith.constant 0 : i32
    %c0_i32_1 = arith.constant 0 : i32
    return %c0_i32, %c0_i32_0 : i32, i32
  }
  func.func @transform_2(%arg0: i32, %arg1: i32) -> (i32, i32, i32) {
    %c0_i32 = arith.constant 0 : i32
    %c0_i32_0 = arith.constant 0 : i32
    %c0_i32_1 = arith.constant 0 : i32
    return %arg0, %c0_i32, %c0_i32_0 : i32, i32, i32
  }
  func.func @transform_3(%arg0: i32, %arg1: i32) -> (i32, i32) {
    %c0_i32 = arith.constant 0 : i32
    %c0_i32_0 = arith.constant 0 : i32
    return %arg1, %c0_i32 : i32, i32
  }
  func.func @transform_4(%arg0: i32, %arg1: i32) -> (i32, i32, i32) {
    %c0_i32 = arith.constant 0 : i32
    %c0_i32_0 = arith.constant 0 : i32
    return %arg0, %arg1, %c0_i32 : i32, i32, i32
  }
}

module attributes {stable_mosaic.version = 14 : i64} {
  func.func @_epi_body(%arg0: i32, %arg1: memref<3x2x1000x128xf32, #tpu.memory_space<vmem>>, %arg2: memref<3x1000x128xf32, #tpu.memory_space<vmem>>, %arg3: memref<1000x1xf32, #tpu.memory_space<vmem>>, %arg4: memref<1000x3x128xf32, #tpu.memory_space<vmem>>) attributes {dimension_semantics = [#tpu.dimension_semantics<arbitrary>], iteration_bounds = array<i64: 10>, scalar_prefetch = 0 : i64, scratch_operands = 0 : i64, tpu.core_type = #tpu.core_type<tc>, window_params = [{transform_indices = @transform_0, window_bounds = array<i64: 3, 2, 1000, 128>}, {transform_indices = @transform_1, window_bounds = array<i64: 3, 1000, 128>}, {transform_indices = @transform_2, window_bounds = array<i64: 1000, 1>}, {transform_indices = @transform_3, window_bounds = array<i64: 1000, 3, 128>}]} {
    %get3A = arith.constant 0 : index
    %get3A_0 = arith.constant 0 : index
    %get3A_1 = vector.load %arg3[%get3A, %get3A_0] : memref<1000x1xf32, #tpu.memory_space<vmem>>, vector<1000x1xf32>
    %get3A_2 = arith.constant 0 : index
    %get3A_3 = arith.constant 0 : index
    %get3A_4 = arith.constant 0 : index
    %get3A_5 = arith.constant 0 : index
    %get3A_6 = vector.load %arg1[%get3A_2, %get3A_3, %get3A_4, %get3A_5] : memref<3x2x1000x128xf32, #tpu.memory_space<vmem>>, vector<1x1x1000x128xf32>
    %get3A_7 = vector.shape_cast %get3A_6 : vector<1x1x1000x128xf32> to vector<1000x128xf32>
    %get3A_8 = arith.constant 0 : index
    %get3A_9 = arith.constant 1 : index
    %get3A_10 = arith.constant 0 : index
    %get3A_11 = arith.constant 0 : index
    %get3A_12 = vector.load %arg1[%get3A_8, %get3A_9, %get3A_10, %get3A_11] : memref<3x2x1000x128xf32, #tpu.memory_space<vmem>>, vector<1x1x1000x128xf32>
    %get3A_13 = vector.shape_cast %get3A_12 : vector<1x1x1000x128xf32> to vector<1000x128xf32>
    %add3A = arith.addf %get3A_7, %get3A_13 : vector<1000x128xf32>
    %get3A_14 = arith.constant 0 : index
    %get3A_15 = arith.constant 0 : index
    %get3A_16 = arith.constant 0 : index
    %get3A_17 = vector.load %arg2[%get3A_14, %get3A_15, %get3A_16] : memref<3x1000x128xf32, #tpu.memory_space<vmem>>, vector<1x1000x128xf32>
    %get3A_18 = vector.shape_cast %get3A_17 : vector<1x1000x128xf32> to vector<1000x128xf32>
    %add3A_19 = arith.addf %add3A, %get3A_18 : vector<1000x128xf32>
    %mul3A = vector.broadcast %get3A_1 : vector<1000x1xf32> to vector<1000x128xf32>
    %mul3A_20 = arith.mulf %mul3A, %add3A_19 : vector<1000x128xf32>
    %ge3A = arith.constant 0.000000e+00 : f32
    %ge3A_21 = vector.broadcast %ge3A : f32 to vector<1000x128xf32>
    %ge3A_22 = arith.cmpf oge, %mul3A_20, %ge3A_21 : vector<1000x128xf32>
    %mul3A_23 = arith.constant 0.229166672 : f32
    %mul3A_24 = vector.broadcast %mul3A_23 : f32 to vector<1000x128xf32>
    %mul3A_25 = arith.mulf %mul3A_24, %mul3A_20 : vector<1000x128xf32>
    %select_n3A = arith.select %ge3A_22, %mul3A_20, %mul3A_25 : vector<1000x128xi1>, vector<1000x128xf32>
    %swap3A = arith.constant 0 : index
    %swap3A_26 = arith.constant 0 : index
    %swap3A_27 = arith.constant 0 : index
    %swap3A_28 = vector.load %arg4[%swap3A, %swap3A_26, %swap3A_27] : memref<1000x3x128xf32, #tpu.memory_space<vmem>>, vector<1000x1x128xf32>
    %swap3A_29 = vector.shape_cast %swap3A_28 : vector<1000x1x128xf32> to vector<1000x128xf32>
    %swap3A_30 = vector.shape_cast %select_n3A : vector<1000x128xf32> to vector<1000x1x128xf32>
    tpu.vector_store %arg4[%swap3A, %swap3A_26, %swap3A_27], %swap3A_30 {strides = array<i32>} : memref<1000x3x128xf32, #tpu.memory_space<vmem>>, vector<1000x1x128xf32>,
    %get3A_31 = arith.constant 1 : index
    %get3A_32 = arith.constant 0 : index
    %get3A_33 = arith.constant 0 : index
    %get3A_34 = arith.constant 0 : index
    %get3A_35 = vector.load %arg1[%get3A_31, %get3A_32, %get3A_33, %get3A_34] : memref<3x2x1000x128xf32, #tpu.memory_space<vmem>>, vector<1x1x1000x128xf32>
    %get3A_36 = vector.shape_cast %get3A_35 : vector<1x1x1000x128xf32> to vector<1000x128xf32>
    %get3A_37 = arith.constant 1 : index
    %get3A_38 = arith.constant 1 : index
    %get3A_39 = arith.constant 0 : index
    %get3A_40 = arith.constant 0 : index
    %get3A_41 = vector.load %arg1[%get3A_37, %get3A_38, %get3A_39, %get3A_40] : memref<3x2x1000x128xf32, #tpu.memory_space<vmem>>, vector<1x1x1000x128xf32>
    %get3A_42 = vector.shape_cast %get3A_41 : vector<1x1x1000x128xf32> to vector<1000x128xf32>
    %add3A_43 = arith.addf %get3A_36, %get3A_42 : vector<1000x128xf32>
    %get3A_44 = arith.constant 1 : index
    %get3A_45 = arith.constant 0 : index
    %get3A_46 = arith.constant 0 : index
    %get3A_47 = vector.load %arg2[%get3A_44, %get3A_45, %get3A_46] : memref<3x1000x128xf32, #tpu.memory_space<vmem>>, vector<1x1000x128xf32>
    %get3A_48 = vector.shape_cast %get3A_47 : vector<1x1000x128xf32> to vector<1000x128xf32>
    %add3A_49 = arith.addf %add3A_43, %get3A_48 : vector<1000x128xf32>
    %mul3A_50 = vector.broadcast %get3A_1 : vector<1000x1xf32> to vector<1000x128xf32>
    %mul3A_51 = arith.mulf %mul3A_50, %add3A_49 : vector<1000x128xf32>
    %ge3A_52 = arith.constant 0.000000e+00 : f32
    %ge3A_53 = vector.broadcast %ge3A_52 : f32 to vector<1000x128xf32>
    %ge3A_54 = arith.cmpf oge, %mul3A_51, %ge3A_53 : vector<1000x128xf32>
    %mul3A_55 = arith.constant 0.229166672 : f32
    %mul3A_56 = vector.broadcast %mul3A_55 : f32 to vector<1000x128xf32>
    %mul3A_57 = arith.mulf %mul3A_56, %mul3A_51 : vector<1000x128xf32>
    %select_n3A_58 = arith.select %ge3A_54, %mul3A_51, %mul3A_57 : vector<1000x128xi1>, vector<1000x128xf32>
    %swap3A_59 = arith.constant 0 : index
    %swap3A_60 = arith.constant 1 : index
    %swap3A_61 = arith.constant 0 : index
    %swap3A_62 = vector.load %arg4[%swap3A_59, %swap3A_60, %swap3A_61] : memref<1000x3x128xf32, #tpu.memory_space<vmem>>, vector<1000x1x128xf32>
    %swap3A_63 = vector.shape_cast %swap3A_62 : vector<1000x1x128xf32> to vector<1000x128xf32>
    %swap3A_64 = vector.shape_cast %select_n3A_58 : vector<1000x128xf32> to vector<1000x1x128xf32>
    tpu.vector_store %arg4[%swap3A_59, %swap3A_60, %swap3A_61], %swap3A_64 {strides = array<i32>} : memref<1000x3x128xf32, #tpu.memory_space<vmem>>, vector<1000x1x128xf32>,
    %get3A_65 = arith.constant 2 : index
    %get3A_66 = arith.constant 0 : index
    %get3A_67 = arith.constant 0 : index
    %get3A_68 = arith.constant 0 : index
    %get3A_69 = vector.load %arg1[%get3A_65, %get3A_66, %get3A_67, %get3A_68] : memref<3x2x1000x128xf32, #tpu.memory_space<vmem>>, vector<1x1x1000x128xf32>
    %get3A_70 = vector.shape_cast %get3A_69 : vector<1x1x1000x128xf32> to vector<1000x128xf32>
    %get3A_71 = arith.constant 2 : index
    %get3A_72 = arith.constant 1 : index
    %get3A_73 = arith.constant 0 : index
    %get3A_74 = arith.constant 0 : index
    %get3A_75 = vector.load %arg1[%get3A_71, %get3A_72, %get3A_73, %get3A_74] : memref<3x2x1000x128xf32, #tpu.memory_space<vmem>>, vector<1x1x1000x128xf32>
    %get3A_76 = vector.shape_cast %get3A_75 : vector<1x1x1000x128xf32> to vector<1000x128xf32>
    %add3A_77 = arith.addf %get3A_70, %get3A_76 : vector<1000x128xf32>
    %get3A_78 = arith.constant 2 : index
    %get3A_79 = arith.constant 0 : index
    %get3A_80 = arith.constant 0 : index
    %get3A_81 = vector.load %arg2[%get3A_78, %get3A_79, %get3A_80] : memref<3x1000x128xf32, #tpu.memory_space<vmem>>, vector<1x1000x128xf32>
    %get3A_82 = vector.shape_cast %get3A_81 : vector<1x1000x128xf32> to vector<1000x128xf32>
    %add3A_83 = arith.addf %add3A_77, %get3A_82 : vector<1000x128xf32>
    %mul3A_84 = vector.broadcast %get3A_1 : vector<1000x1xf32> to vector<1000x128xf32>
    %mul3A_85 = arith.mulf %mul3A_84, %add3A_83 : vector<1000x128xf32>
    %ge3A_86 = arith.constant 0.000000e+00 : f32
    %ge3A_87 = vector.broadcast %ge3A_86 : f32 to vector<1000x128xf32>
    %ge3A_88 = arith.cmpf oge, %mul3A_85, %ge3A_87 : vector<1000x128xf32>
    %mul3A_89 = arith.constant 0.229166672 : f32
    %mul3A_90 = vector.broadcast %mul3A_89 : f32 to vector<1000x128xf32>
    %mul3A_91 = arith.mulf %mul3A_90, %mul3A_85 : vector<1000x128xf32>
    %select_n3A_92 = arith.select %ge3A_88, %mul3A_85, %mul3A_91 : vector<1000x128xi1>, vector<1000x128xf32>
    %swap3A_93 = arith.constant 0 : index
    %swap3A_94 = arith.constant 2 : index
    %swap3A_95 = arith.constant 0 : index
    %swap3A_96 = vector.load %arg4[%swap3A_93, %swap3A_94, %swap3A_95] : memref<1000x3x128xf32, #tpu.memory_space<vmem>>, vector<1000x1x128xf32>
    %swap3A_97 = vector.shape_cast %swap3A_96 : vector<1000x1x128xf32> to vector<1000x128xf32>
    %swap3A_98 = vector.shape_cast %select_n3A_92 : vector<1000x128xf32> to vector<1000x1x128xf32>
    tpu.vector_store %arg4[%swap3A_93, %swap3A_94, %swap3A_95], %swap3A_98 {strides = array<i32>} : memref<1000x3x128xf32, #tpu.memory_space<vmem>>, vector<1000x1x128xf32>,
    return
  }
  func.func @transform_0(%arg0: i32) -> (i32, i32, i32, i32) {
    %c0_i32 = arith.constant 0 : i32
    %c0_i32_0 = arith.constant 0 : i32
    %c0_i32_1 = arith.constant 0 : i32
    %c0_i32_2 = arith.constant 0 : i32
    return %c0_i32, %c0_i32_0, %arg0, %c0_i32_1 : i32, i32, i32, i32
  }
  func.func @transform_1(%arg0: i32) -> (i32, i32, i32) {
    %c0_i32 = arith.constant 0 : i32
    %c0_i32_0 = arith.constant 0 : i32
    %c0_i32_1 = arith.constant 0 : i32
    return %c0_i32, %arg0, %c0_i32_0 : i32, i32, i32
  }
  func.func @transform_2(%arg0: i32) -> (i32, i32) {
    %c0_i32 = arith.constant 0 : i32
    %c0_i32_0 = arith.constant 0 : i32
    return %arg0, %c0_i32 : i32, i32
  }
  func.func @transform_3(%arg0: i32) -> (i32, i32, i32) {
    %c0_i32 = arith.constant 0 : i32
    %c0_i32_0 = arith.constant 0 : i32
    %c0_i32_1 = arith.constant 0 : i32
    return %arg0, %c0_i32, %c0_i32_0 : i32, i32, i32
  }
}

</mosaic_0001>

<sc_bundles>
// kernel: kernel.11.cloned.1.call-start
scs
__scs_entry_jumppad:
0x0: {  	(pc) =	sbr.rel $0x88, $3  }
0x1: {  	(tag) =	ssettag $0x0;
	lr =	simm.s32 $0x1  }
0x2: {  	[smem:$0x3F94] =	sst lr;
	_ =	strace $0xD0000000  }
0x3: {  	_ = 	snop  }
0x4: {  	_ = 	snop  }
0x5: {  	_ = 	snop  }
0x6: {  	_ = 	snop  }
0x7: {  	_ = 	snop  }
__scs_overlays_trampoline_lowered:
0x8: {  	[smem:$0x3FA3] =	sst s0  }
0x9: {  	[smem:$0x3FA4] =	sst s1  }
0xa: {  	[smem:$0x3FA5] =	sst s2  }
0xb: {  	[smem:$0x3FA6] =	sst s3  }
0xc: {  	[smem:$0x3FA7] =	sst s4  }
0xd: {  	[smem:$0x3FA8] =	sst s5  }
0xe: {  	[smem:$0x3FA9] =	sst s6  }
0xf: {  	[smem:$0x3FAA] =	sst s7  }
0x10: {  	[smem:$0x3FAB] =	sst s8  }
0x11: {  	[smem:$0x3FAC] =	sst s9;
	s0 =	simm.s32 @!p0 $0x0  }
0x12: {  	s1 =	sld [smem:$0x3F92];
	s0 =	simm.s32 @p0 $0x1  }
0x13: {  	[smem:$0x3FAD] =	sst s0;
	s0 =	simm.s32 @!p1 $0x0  }
0x14: {  	s2 =	sld [smem:$0x3F91];
	s0 =	simm.s32 @p1 $0x1  }
0x15: {  	[smem:$0x3FAE] =	sst s0;
	s0 =	simm.s32 @!p2 $0x0  }
0x16: {  	s3 =	sld [smem:$0x3FDB];
	s0 =	simm.s32 @p2 $0x1  }
0x17: {  	s4 =	simm.s32 $0x1BF5;
	[smem:$0x3FB0] =	sst s0  }
0x18: {  	s0 =	sld [smem:$0x3F93];
	_ =	swait.ge [sflag:s4], $0x0  }
0x19: {  	s7 =	sld [smem:$0x3F94]  }
0x1a: {  	s8 =	sadd.s32 $0xFFFFE003, lr  }
0x1b: {  	s9 =	sadd.s32 $0xFFFFFEF7, lr;
	s5 =	simm.s32 $0xFFFFFFFF;
	p2 =	slt.u32 s8, $0xFFFFF086  }
0x1c: {  	p1 =	slt.u32 s9, $0xF7A;
	s5 =	simm.s32 @!p2 $0x0  }
0x1d: {  	s5 =	simm.s32 @p1 $0x1;
	p0 =	seq.s32 s7, s2  }
0x1e: {  	s7 =	smul.u32 @!p0 $0xF7A, s2;
	p2 =	seq.s32 @!p0 s5, $0x0  }
0x1f: {  	s9 =	smul.u32 $0xF7A, s1;
	s8 =	simm.s32 @!p0 $0x1BF5;
	p2 =	por !p2, p0  }
0x20: {  	[sflag:s8] =	ssyncset.s32 @!p0 $0xFFFFF086;
	s6 =	sadd.s32 @!p0 s3, s7;
	s7 =	simm.s32 @!p0 $0x108  }
0x21: {  	s3 =	sadd.s32 s3, s9;
	s6 =	sadd.s32 @!p0 $0x88, s6;
	s7 =	simm.s32 @p2 $0x1082  }
0x22: {  	[simem:s7], [sflag:s8] =	dma.local @!p0 [hbm:s6], $0xF7A  }
0x23: {  	s9 =	sor.u32 $0xD0000000, s2;
	s6 =	simm.s32 $0x108;
	_ =	swait.ge @!p0 [sflag:s8], $0x0  }
0x24: {  	s3 =	sadd.s32 $0x88, s3;
	s6 =	simm.s32 @!p1 $0x1082;
	[sflag:s4] =	ssyncset.s32 $0xFFFFF086  }
0x25: {  	[simem:s6], [sflag:s4] =	dma.local [hbm:s3], $0xF7A  }
0x26: {  	[smem:$0x3F94] =	sst s1;
	(tag) =	ssettag s2;
	_ =	strace s9  }
0x27: {  	s1 =	sld [smem:$0x3FA4]  }
0x28: {  	s2 =	sld [smem:$0x3FA5]  }
0x29: {  	s4 =	sld [smem:$0x3FA7]  }
0x2a: {  	p0 =	seq.s32 s5, $0x0;
	s5 =	sld [smem:$0x3FA8]  }
0x2b: {  	s6 =	sld [smem:$0x3FA9]  }
0x2c: {  	s7 =	sld [smem:$0x3FAA]  }
0x2d: {  	s3 =	simm.s32 $0x108;
	s8 =	sld [smem:$0x3FAB]  }
0x2e: {  	s3 =	simm.s32 @!p0 $0x1082;
	s9 =	sld [smem:$0x3FAC]  }
0x2f: {  	lr =	sadd.s32 s0, s3;
	s0 =	sld [smem:$0x3FA3]  }
0x30: {  	s3 =	sld [smem:$0x3FA6]  }
0x31: {  	[smem:$0x3FAF] =	sst s10  }
0x32: {  	s10 =	sld [smem:$0x3FAD];
	_ =	sdelay $0x3  }
0x33: {  	p0 =	seq.s32 s10, $0x1;
	s10 =	sld [smem:$0x3FAF];
	_ =	sdelay $0x3  }
0x34: {  	[smem:$0x3FAF] =	sst s10  }
0x35: {  	s10 =	sld [smem:$0x3FAE];
	_ =	sdelay $0x3  }
0x36: {  	p1 =	seq.s32 s10, $0x1;
	s10 =	sld [smem:$0x3FAF];
	_ =	sdelay $0x3  }
0x37: {  	[smem:$0x3FAF] =	sst s10  }
0x38: {  	s10 =	sld [smem:$0x3FB0]  }
0x39: {  	_ = 	snop;
	(pc) =	sbr.ind lr, $3  }
0x3a: {  	_ = 	snop  }
0x3b: {  	_ = 	snop  }
0x3c: {  	p2 =	seq.s32 s10, $0x1;
	s10 =	sld [smem:$0x3FAF]  }
0x3d: {  	_ =	shalt  }
0x3e: {  	_ =	shalt  }
0x3f: {  	_ =	shalt  }
0x40: {  	_ =	shalt  }
0x41: {  	_ =	shalt  }
0x42: {  	_ =	shalt  }
0x43: {  	_ =	shalt  }
0x44: {  	_ =	shalt  }
0x45: {  	_ =	shalt  }
0x46: {  	_ =	shalt  }
0x47: {  	_ =	shalt  }
0x48: {  	_ =	shalt  }
0x49: {  	_ =	shalt  }
0x4a: {  	_ =	shalt  }
0x4b: {  	_ =	shalt  }
0x4c: {  	_ =	shalt  }
0x4d: {  	_ =	shalt  }
0x4e: {  	_ =	shalt  }
0x4f: {  	_ =	shalt  }
0x50: {  	_ =	shalt  }
0x51: {  	_ =	shalt  }
0x52: {  	_ =	shalt  }
0x53: {  	_ =	shalt  }
0x54: {  	_ =	shalt  }
0x55: {  	_ =	shalt  }
0x56: {  	_ =	shalt  }
0x57: {  	_ =	shalt  }
0x58: {  	_ =	shalt  }
0x59: {  	_ =	shalt  }
0x5a: {  	_ =	shalt  }
0x5b: {  	_ =	shalt  }
0x5c: {  	_ =	shalt  }
0x5d: {  	_ =	shalt  }
0x5e: {  	_ =	shalt  }
0x5f: {  	_ =	shalt  }
0x60: {  	_ =	shalt  }
0x61: {  	_ =	shalt  }
0x62: {  	_ =	shalt  }
0x63: {  	_ =	shalt  }
0x64: {  	_ =	shalt  }
0x65: {  	_ =	shalt  }
0x66: {  	_ =	shalt  }
0x67: {  	_ =	shalt  }
0x68: {  	_ =	shalt  }
0x69: {  	_ =	shalt  }
0x6a: {  	_ =	shalt  }
0x6b: {  	_ =	shalt  }
0x6c: {  	_ =	shalt  }
0x6d: {  	_ =	shalt  }
0x6e: {  	_ =	shalt  }
0x6f: {  	_ =	shalt  }
0x70: {  	_ =	shalt  }
0x71: {  	_ =	shalt  }
0x72: {  	_ =	shalt  }
0x73: {  	_ =	shalt  }
0x74: {  	_ =	shalt  }
0x75: {  	_ =	shalt  }
0x76: {  	_ =	shalt  }
0x77: {  	_ =	shalt  }
0x78: {  	_ =	shalt  }
0x79: {  	_ =	shalt  }
0x7a: {  	_ =	shalt  }
0x7b: {  	_ =	shalt  }
0x7c: {  	_ =	shalt  }
0x7d: {  	_ =	shalt  }
0x7e: {  	_ =	shalt  }
0x7f: {  	_ =	shalt  }
0x80: {  	_ =	shalt  }
0x81: {  	_ =	shalt  }
0x82: {  	_ =	shalt  }
0x83: {  	_ =	shalt  }
0x84: {  	_ =	shalt  }
0x85: {  	_ =	shalt  }
0x86: {  	_ =	shalt  }
0x87: {  	_ =	shalt  }
.Lfunc_end0:
.L_simem_size_0:
called_computation.1_lowered:
.L_overlay_start_0:
0x88: {  	s2 =	sld [smem:$0x3FD9]  }
0x89: {  	s3 =	sld [smem:$0x3FFE];
	_ =	sdelay $0x1  }
0x8a: {  	s1 =	srdreg.scid  }
0x8b: {  	s0 =	sand.u32 $0x1, s1  }
0x8c: {  	s17 =	sshll.u32 s0, $0xA;
	s2 =	sadd.s32 s3, s2  }
0x8d: {  	s2 =	sadd.s32 s2, s17  }
0x8e: {  	[smem:$0x3FBB] =	sst s2  }
0x8f: {  	_ = 	snop  }
0x90: {  	s2 =	sld [smem:$0x3FD0];
	(tm) =	ssettm $0x1  }
0x91: {  	s18 =	sld [smem:$0x3FFB];
	_ =	sdelay $0x3  }
0x92: {  	_ =	strace s18  }
0x93: {  	s3 =	sld [smem:$0x3FFC];
	_ =	sdelay $0x3  }
0x94: {  	_ =	strace s3  }
0x95: {  	s3 =	sld [smem:$0x3FFD];
	_ =	sdelay $0x3  }
0x96: {  	_ =	strace s3  }
0x97: {  	_ =	strace $0x8FFFFFFF  }
0x98: {  	s19 =	sld [smem:$0x3FDB];
	_ =	sdelay $0x1  }
0x99: {  	s4 =	simm.s32 $_scs_section_size  }
0x9a: {  	s5 =	simm.s32 $_size__tile_overlayer_lowered;
	s6 =	simm.s32 $_tile_overlayer_lowered  }
0x9b: {  	s22 =	simm.s32 $0x1BFF;
	s21 =	sshll.u32 s6, $0x1;
	s3 =	sadd.s32 s4, s19  }
0x9c: {  	s7 =	simm.s32 $0x0;
	s20 =	sshll.u32 s5, $0x1;
	s5 =	sadd.s32 s21, s3  }
0x9d: {  	[timem:s7], [sflag:s22] =	dma.local [hbm:s5], s20  }
0x9e: {  	_ =	swait.ge [sflag:s22], s20  }
0x9f: {  	s4 =	ssub.s32 $0x0, s20;
	[sflag:s22] =	ssyncset.done $0x0  }
0xa0: {  	[sflag:s22] =	ssyncadd.s32 s4;
	_ =	sdelay $0x1  }
0xa1: {  	s23 =	simm.s32 $0x1B8B  }
0xa2: {  	_ =	swait.ge [sflag:s23], $0x1  }
0xa3: {  	[sflag:s23] =	ssyncset.done $0x0  }
0xa4: {  	s25 =	simm.s32 $0x1B8E;
	s24 =	sld [smem:$0x3FFE];
	[sflag:s23] =	ssyncadd.s32 $0xFFFFFFFF  }
0xa5: {  	s26 =	simm.s32 $execute0_lowered;
	[smem:$0x3FD2] =	sst s25  }
0xa6: {  	s5 =	sshll.u32 s26, $0x1;
	_ =	strace $0x80000049;
	[dreg:$0x1] =	wrdreg $0xFFFFFFFF  }
0xa7: {  	s28 =	simm.s32 $_size_execute0_lowered;
	s3 =	sadd.s32 s3, s5;
	[dreg:$0x0] =	wrdreg $0x0  }
0xa8: {  	s5 =	sshll.u32 s28, $0x1;
	[dreg:$0x2] =	wrdreg s3  }
0xa9: {  	[dreg:$0x3] =	wrdreg s5  }
0xaa: {  	[dreg:$0x4] =	wrdreg $0xC0  }
0xab: {  	_ =	task [dreg:s7], $0x5FFFF  }
0xac: {  	[dreg:$0x1] =	wrdreg $0xFFFFFFFF  }
0xad: {  	[dreg:$0x0] =	wrdreg $0x60  }
0xae: {  	[dreg:$0x2] =	wrdreg s24  }
0xaf: {  	[dreg:$0x3] =	wrdreg s2  }
0xb0: {  	[dreg:$0x4] =	wrdreg $0xA8000  }
0xb1: {  	[dreg:$0x5] =	wrdreg $0x9  }
0xb2: {  	_ =	task.clear_ibuf [dreg:s7], $0x6FFFF;
	_ =	strace $0x90000049  }
0xb3: {  	s29 =	simm.s32 $0x9;
	_ =	strace $0x8000004B  }
0xb4: {  	_ =	swait.ge [sflag:s29], $0x1  }
0xb5: {  	[sflag:s29] =	ssyncadd.s32 $0xFFFFFFFF  }
0xb6: {  	_ =	strace $0x9000004B  }
0xb7: {  	_ =	sfence  }
0xb8: {  	s30 =	sld [smem:$0x0];
	_ =	sdelay $0x2  }
0xb9: {  	s31 =	sshll.u32 s1, $0xD;
	s1 =	sshrl.u32 s1, $0x2  }
0xba: {  	s3 =	sand.u32 $0x4000, s31;
	s1 =	sadd.s32 s1, s30  }
0xbb: {  	s0 =	sor.u32 s3, s0;
	s1 =	sshll.u32 s1, $0x11  }
0xbc: {  	s0 =	sor.u32 s1, s0  }
0xbd: {  	s0 =	sadd.s32 $0x8F2B, s0  }
0xbe: {  	[sflag:s0] =	ssyncadd.remote.s32 $0x1  }
0xbf: {  	_ =	sfence.sel $0xFFFF  }
0xc0: {  	[dreg:$0x0] =	wrdreg $0xFFFFFFFF;
	(pc) =	sbr.abs _section_cstart, $3  }
0xc1: {  	[dreg:$0x1] =	wrdreg $0xFFFFFFFF  }
0xc2: {  	_ =	task.clear_ibuf [dreg:s7], $0x2FFFF;
	_ =	strace $0x9FFFFFFF  }
0xc3: {  	(tm) =	ssettm $0x7FFFFFFF  }
tec
execute0_lowered:
.L_overlay_start_1:
0x0: {  	(tag) =	ssettag $0x1  }
0x1: {  	s7 =	rddreg [dreg:$0x0]  }
0x2: {  	s1 =	rddreg [dreg:$0x1]  }
0x3: {  	s2 =	rddreg [dreg:$0x2]  }
0x4: {  	s0 =	rddreg [dreg:$0x3];
	s4 =	simm.s32 $0x0;
	s5 =	srdreg.scid  }
0x5: {  	s3 =	stileid.u32;
	s17 =	simm.s32 $0x4000;
	s18 =	simm.s32 $0x50  }
0x6: {  	s19 =	simm.s32 $0x8000;
	s20 =	simm.s32 $0x1;
	s21 =	simm.s32 $0x0  }
0x7: {  	[smem:$0x7FF] =	sst s4;
	s8 =	sand.u32 $0x1, s5;
	s9 =	smul.u32 $0x13C00, s3  }
0x8: {  	s28 =	sshll.u32 s3, $0xC;
	s5 =	sadd.s32 $0x70A00, s7;
	s29 =	smul.u32 $0x4F000, s3  }
0x9: {  	s15 =	sshll.u32 s3, $0x6;
	s6 =	sshll.u32 s8, $0xB;
	_ =	strace $0x8000004A  }
0xa: {  	s11 =	smul.u32 $0x13C000, s8;
	s8 =	ssub.s32 $0x2, s8;
	s15 =	sor.u32 $0x1C02, s15  }
0xb: {  	s10 =	sor.u32 s6, s28;
	s6 =	sadd.s32 $0x49800, s7;
	s12 =	sshrl.u32 s9, $0x3  }
0xc: {  	s30 =	sshrl.u32 s8, $0x1;
	s31 =	sshrl.u32 s29, $0x2;
	s10 =	sadd.s32 s10, s7  }
0xd: {  	s9 =	sadd.s32 s9, s11;
	s12 =	sadd.s32 s12, s7;
	s14 =	ssub.s32 s8, s30  }
0xe: {  	s16 =	sadd.s32 s31, s2;
	s9 =	sshrl.u32 s9, $0x3;
	s8 =	sadd.s32 $0x12000, s12  }
0xf: {  	s16 =	sshrl.u32 s16, $0x3;
	s13 =	sadd.s32 s9, s7;
	s7 =	sadd.s32 $0x39800, s10  }
0x10: {  	s9 =	sadd.s32 $0x1A00, s10;
	s10 =	sadd.s32 $0x97C00, s13;
	s11 =	sadd.s32 $0xE6C00, s13  }
0x11: {  	s12 =	sadd.s32 $0x135C00, s13;
	s13 =	smax.u32 s14, $0x1;
	s14 =	simm.s32 $0x2  }
.LBB2_1:
0x12: {  	[tilespmem:s4], [sflag:$0x2] =	stream.linear.gather [hbm4b:s7+s4], $0x3E80, $0x38;
	[tilespmem:$0x1E400] =	vst v63  }
0x13: {  	_ =	swait.ge [sflag:s14], $0x3E80  }
0x14: {  	[sflag:s14] =	ssyncset.done $0x0  }
0x15: {  	[sflag:s14] =	ssyncadd.s32 $0xFFFFC180  }
0x16: {  	[spmem:s16], [sflag:s15] =	dma.local [hbm:s8], $0x2780  }
0x17: {  	_ =	swait.ge [sflag:s14], $0x2780  }
0x18: {  	[sflag:s14] =	ssyncset.done $0x0  }
0x19: {  	[sflag:s14] =	ssyncadd.s32 $0xFFFFD880  }
0x1a: {  	[tilespmem:s17], [sflag:$0x2] =	stream.linear.gather [hbm4b:s9+s4], $0x3E80, $0x38;
	[tilespmem:$0x1E400] =	vst v63  }
0x1b: {  	_ =	swait.ge [sflag:s14], $0x3E80  }
0x1c: {  	[sflag:s14] =	ssyncset.done $0x0  }
0x1d: {  	[sflag:s14] =	ssyncadd.s32 $0xFFFFC180  }
0x1e: {  	s22 =	simm.s32 $0x0;
	[bflag:$0x0] =	sbarrier.arrive $0xFFFF  }
0x1f: {  	[tilespmem:s19], [sflag:$0x1] =	stream.indirect.gather [hbm4b:s5+s18], $0x80, s22, s18, $0xb8;
	[tilespmem:$0x1E400] =	vst v63  }
0x20: {  	_ =	swait.ge [sflag:s20], $0x2800  }
0x21: {  	[sflag:s20] =	ssyncset.done $0x0  }
0x22: {  	s31 =	simm.s32 $0x4000;
	[sflag:s20] =	ssyncadd.s32 $0xFFFFD800  }
0x23: {  	[spmem:s2] =	stream.indirect.scatter.add.f32 [tilespmem:s19], [sflag:$0x2], $0x80, s31, s18, $0xb8;
	[tilespmem:$0x1E400] =	vst v63  }
0x24: {  	_ =	swait.ge [sflag:s14], $0x2800  }
0x25: {  	s23 =	simm.s32 $0x400;
	s22 =	simm.s32 $0x200;
	[sflag:s14] =	ssyncset.done $0x0  }
.LBB2_2:
0x26: {  	s24 =	sshra.s32 s22, $0x2  }
0x27: {  	[sflag:s14] =	ssyncadd.s32 $0xFFFFD800;
	s22 =	smov.u32 s23;
	s25 =	sadd.s32 $0x200, s23  }
0x28: {  	[tilespmem:s19], [sflag:$0x1] =	stream.indirect.gather [hbm4b:s5+s18], $0x80, s24, s18, $0xb8;
	[tilespmem:$0x1E400] =	vst v63  }
0x29: {  	p0 =	sne.s32 s23, $0xF800;
	_ =	swait.ge [sflag:s20], $0x2800  }
.Ltmp0:
0x2a: {  	[sflag:s20] =	ssyncset.done $0x0;
	(pc) =	sbr.rel @p0 .LBB2_2-.Ltmp0, $4  }
0x2b: {  	s23 =	sadd.s32 $0x4000, s24;
	[sflag:s20] =	ssyncadd.s32 $0xFFFFD800  }
0x2c: {  	[spmem:s2] =	stream.indirect.scatter.add.f32 [tilespmem:s19], [sflag:$0x2], $0x80, s23, s18, $0xb8;
	[tilespmem:$0x1E400] =	vst v63  }
0x2d: {  	_ =	swait.ge [sflag:s14], $0x2800  }
0x2e: {  	s23 =	smov.u32 s25;
	[sflag:s14] =	ssyncset.done $0x0  }
0x2f: {  	s22 =	sshra.s32 s22, $0x2;
	[sflag:s14] =	ssyncadd.s32 $0xFFFFD800  }
0x30: {  	[tilespmem:s19], [sflag:$0x1] =	stream.indirect.gather [hbm4b:s5+s18], $0x80, s22, s18, $0xb8;
	[tilespmem:$0x1E400] =	vst v63  }
0x31: {  	_ =	swait.ge [sflag:s20], $0x2800  }
0x32: {  	[sflag:s20] =	ssyncset.done $0x0  }
0x33: {  	s22 =	sadd.s32 $0x4000, s22;
	[sflag:s20] =	ssyncadd.s32 $0xFFFFD800  }
0x34: {  	[spmem:s2] =	stream.indirect.scatter.add.f32 [tilespmem:s19], [sflag:$0x2], $0x80, s22, s18, $0xb8;
	[tilespmem:$0x1E400] =	vst v63  }
0x35: {  	_ =	swait.ge [sflag:s14], $0x2800  }
0x36: {  	[sflag:s14] =	ssyncset.done $0x0  }
0x37: {  	[sflag:s14] =	ssyncadd.s32 $0xFFFFD800  }
0x38: {  	[bflag:$0x0] =	sbarrier.arrive $0xFFFF  }
0x39: {  	[hbm:s10], [sflag:s15] =	dma.local [spmem:s16], $0x2780  }
0x3a: {  	_ =	swait.ge [sflag:s14], $0x2780  }
0x3b: {  	[sflag:s14] =	ssyncset.done $0x0  }
0x3c: {  	[sflag:s14] =	ssyncadd.s32 $0xFFFFD880  }
0x3d: {  	[spmem:s16], [sflag:s15] =	dma.local [hbm:s8], $0x2780  }
0x3e: {  	_ =	swait.ge [sflag:s14], $0x2780  }
0x3f: {  	[sflag:s14] =	ssyncset.done $0x0  }
0x40: {  	s29 =	simm.s32 $0x0;
	[sflag:s14] =	ssyncadd.s32 $0xFFFFD880  }
0x41: {  	[tilespmem:s17], [sflag:$0x2] =	stream.linear.gather [hbm4b:s9+s29], $0x3E80, $0x38;
	[tilespmem:$0x1E400] =	vst v63  }
0x42: {  	_ =	swait.ge [sflag:s14], $0x3E80  }
0x43: {  	[sflag:s14] =	ssyncset.done $0x0  }
0x44: {  	[sflag:s14] =	ssyncadd.s32 $0xFFFFC180  }
0x45: {  	s30 =	simm.s32 $0x0;
	[bflag:$0x0] =	sbarrier.arrive $0xFFFF  }
0x46: {  	[tilespmem:s19], [sflag:$0x1] =	stream.indirect.gather [hbm4b:s6+s18], $0x80, s30, s18, $0xb8;
	[tilespmem:$0x1E400] =	vst v63  }
0x47: {  	_ =	swait.ge [sflag:s20], $0x2800  }
0x48: {  	[sflag:s20] =	ssyncset.done $0x0  }
0x49: {  	s31 =	simm.s32 $0x4000;
	[sflag:s20] =	ssyncadd.s32 $0xFFFFD800  }
0x4a: {  	[spmem:s2] =	stream.indirect.scatter.add.f32 [tilespmem:s19], [sflag:$0x2], $0x80, s31, s18, $0xb8;
	[tilespmem:$0x1E400] =	vst v63  }
0x4b: {  	_ =	swait.ge [sflag:s14], $0x2800  }
0x4c: {  	s23 =	simm.s32 $0x400;
	s22 =	simm.s32 $0x200;
	[sflag:s14] =	ssyncset.done $0x0  }
.LBB2_4:
0x4d: {  	s24 =	sshra.s32 s22, $0x2  }
0x4e: {  	[sflag:s14] =	ssyncadd.s32 $0xFFFFD800;
	s22 =	smov.u32 s23;
	s25 =	sadd.s32 $0x200, s23  }
0x4f: {  	[tilespmem:s19], [sflag:$0x1] =	stream.indirect.gather [hbm4b:s6+s18], $0x80, s24, s18, $0xb8;
	[tilespmem:$0x1E400] =	vst v63  }
0x50: {  	p0 =	sne.s32 s23, $0xF800;
	_ =	swait.ge [sflag:s20], $0x2800  }
.Ltmp1:
0x51: {  	[sflag:s20] =	ssyncset.done $0x0;
	(pc) =	sbr.rel @p0 .LBB2_4-.Ltmp1, $4  }
0x52: {  	s23 =	sadd.s32 $0x4000, s24;
	[sflag:s20] =	ssyncadd.s32 $0xFFFFD800  }
0x53: {  	[spmem:s2] =	stream.indirect.scatter.add.f32 [tilespmem:s19], [sflag:$0x2], $0x80, s23, s18, $0xb8;
	[tilespmem:$0x1E400] =	vst v63  }
0x54: {  	_ =	swait.ge [sflag:s14], $0x2800  }
0x55: {  	s23 =	smov.u32 s25;
	[sflag:s14] =	ssyncset.done $0x0  }
0x56: {  	s22 =	sshra.s32 s22, $0x2;
	[sflag:s14] =	ssyncadd.s32 $0xFFFFD800  }
0x57: {  	[tilespmem:s19], [sflag:$0x1] =	stream.indirect.gather [hbm4b:s6+s18], $0x80, s22, s18, $0xb8;
	[tilespmem:$0x1E400] =	vst v63  }
0x58: {  	_ =	swait.ge [sflag:s20], $0x2800  }
0x59: {  	[sflag:s20] =	ssyncset.done $0x0  }
0x5a: {  	s22 =	sadd.s32 $0x4000, s22;
	[sflag:s20] =	ssyncadd.s32 $0xFFFFD800  }
0x5b: {  	[spmem:s2] =	stream.indirect.scatter.add.f32 [tilespmem:s19], [sflag:$0x2], $0x80, s22, s18, $0xb8;
	[tilespmem:$0x1E400] =	vst v63  }
0x5c: {  	_ =	swait.ge [sflag:s14], $0x2800  }
0x5d: {  	[sflag:s14] =	ssyncset.done $0x0  }
0x5e: {  	[sflag:s14] =	ssyncadd.s32 $0xFFFFD800  }
0x5f: {  	[bflag:$0x0] =	sbarrier.arrive $0xFFFF  }
0x60: {  	[hbm:s11], [sflag:s15] =	dma.local [spmem:s16], $0x2780  }
0x61: {  	_ =	swait.ge [sflag:s14], $0x2780  }
0x62: {  	[sflag:s14] =	ssyncset.done $0x0  }
0x63: {  	[sflag:s14] =	ssyncadd.s32 $0xFFFFD880  }
0x64: {  	[spmem:s16], [sflag:s15] =	dma.local [hbm:s8], $0x2780  }
0x65: {  	_ =	swait.ge [sflag:s14], $0x2780  }
0x66: {  	[sflag:s14] =	ssyncset.done $0x0  }
0x67: {  	s29 =	simm.s32 $0x0;
	[sflag:s14] =	ssyncadd.s32 $0xFFFFD880  }
0x68: {  	[tilespmem:s17], [sflag:$0x2] =	stream.linear.gather [hbm4b:s9+s29], $0x3E80, $0x38;
	[tilespmem:$0x1E400] =	vst v63  }
0x69: {  	_ =	swait.ge [sflag:s14], $0x3E80  }
0x6a: {  	[sflag:s14] =	ssyncset.done $0x0  }
0x6b: {  	[sflag:s14] =	ssyncadd.s32 $0xFFFFC180  }
0x6c: {  	s30 =	simm.s32 $0x0;
	[bflag:$0x0] =	sbarrier.arrive $0xFFFF  }
0x6d: {  	[tilespmem:s19], [sflag:$0x1] =	stream.indirect.gather [hbm4b:s1+s18], $0x80, s30, s18, $0xb8;
	[tilespmem:$0x1E400] =	vst v63  }
0x6e: {  	_ =	swait.ge [sflag:s20], $0x2800  }
0x6f: {  	[sflag:s20] =	ssyncset.done $0x0  }
0x70: {  	s31 =	simm.s32 $0x4000;
	[sflag:s20] =	ssyncadd.s32 $0xFFFFD800  }
0x71: {  	[spmem:s2] =	stream.indirect.scatter.add.f32 [tilespmem:s19], [sflag:$0x2], $0x80, s31, s18, $0xb8;
	[tilespmem:$0x1E400] =	vst v63  }
0x72: {  	_ =	swait.ge [sflag:s14], $0x2800  }
0x73: {  	s23 =	simm.s32 $0x400;
	s22 =	simm.s32 $0x200;
	[sflag:s14] =	ssyncset.done $0x0  }
.LBB2_6:
0x74: {  	s24 =	sshra.s32 s22, $0x2  }
0x75: {  	[sflag:s14] =	ssyncadd.s32 $0xFFFFD800;
	s22 =	smov.u32 s23;
	s25 =	sadd.s32 $0x200, s23  }
0x76: {  	[tilespmem:s19], [sflag:$0x1] =	stream.indirect.gather [hbm4b:s1+s18], $0x80, s24, s18, $0xb8;
	[tilespmem:$0x1E400] =	vst v63  }
0x77: {  	p0 =	sne.s32 s23, $0xF800;
	_ =	swait.ge [sflag:s20], $0x2800  }
.Ltmp2:
0x78: {  	[sflag:s20] =	ssyncset.done $0x0;
	(pc) =	sbr.rel @p0 .LBB2_6-.Ltmp2, $4  }
0x79: {  	s23 =	sadd.s32 $0x4000, s24;
	[sflag:s20] =	ssyncadd.s32 $0xFFFFD800  }
0x7a: {  	[spmem:s2] =	stream.indirect.scatter.add.f32 [tilespmem:s19], [sflag:$0x2], $0x80, s23, s18, $0xb8;
	[tilespmem:$0x1E400] =	vst v63  }
0x7b: {  	_ =	swait.ge [sflag:s14], $0x2800  }
0x7c: {  	s23 =	smov.u32 s25;
	[sflag:s14] =	ssyncset.done $0x0  }
0x7d: {  	s22 =	sshra.s32 s22, $0x2;
	[sflag:s14] =	ssyncadd.s32 $0xFFFFD800  }
0x7e: {  	[tilespmem:s19], [sflag:$0x1] =	stream.indirect.gather [hbm4b:s1+s18], $0x80, s22, s18, $0xb8;
	[tilespmem:$0x1E400] =	vst v63  }
0x7f: {  	_ =	swait.ge [sflag:s20], $0x2800  }
0x80: {  	[sflag:s20] =	ssyncset.done $0x0  }
0x81: {  	s22 =	sadd.s32 $0x4000, s22;
	[sflag:s20] =	ssyncadd.s32 $0xFFFFD800  }
0x82: {  	[spmem:s2] =	stream.indirect.scatter.add.f32 [tilespmem:s19], [sflag:$0x2], $0x80, s22, s18, $0xb8;
	[tilespmem:$0x1E400] =	vst v63  }
0x83: {  	_ =	swait.ge [sflag:s14], $0x2800  }
0x84: {  	s21 =	sadd.s32 $0x1, s21;
	[sflag:s14] =	ssyncset.done $0x0  }
0x85: {  	p0 =	sne.s32 s21, s13;
	[sflag:s14] =	ssyncadd.s32 $0xFFFFD800  }
.Ltmp3:
0x86: {  	[bflag:$0x0] =	sbarrier.arrive $0xFFFF;
	(pc) =	sbr.rel @p0 .LBB2_1-.Ltmp3, $4  }
0x87: {  	[hbm:s12], [sflag:s15] =	dma.local [spmem:s16], $0x2780  }
0x88: {  	_ =	swait.ge [sflag:s14], $0x2780  }
0x89: {  	[sflag:s14] =	ssyncset.done $0x0  }
0x8a: {  	[sflag:s14] =	ssyncadd.s32 $0xFFFFD880  }
0x8b: {  	_ =	sfence.sel $0x180000  }
0x8c: {  	[bflag:$0x0] =	sbarrier.arrive $0xFFFF  }
0x8d: {  	p0 =	sne.s32 s3, $0x0;
	_ =	strace $0x9000004A  }
0x8e: {  	s0 =	sadd.s32 @!p0 $0x100000, s0;
	[bflag:$0x2] =	sbarrier.arrive $0xFFFF  }
0x8f: {  	[sflag:s0] =	ssyncadd.tile.s32 @!p0 $0x1;
	_ =	shalt  }
.Lfunc_end2:
_tile_overlayer_lowered:
.L_overlay_start_2:
0x90: {  	(tag) =	ssettag $0x2  }
0x91: {  	s0 =	rddreg [dreg:$0x0];
	s2 =	stileid.u32  }
0x92: {  	s1 =	rddreg [dreg:$0x1];
	p0 =	sne.s32 s2, $0x0  }
0x93: {  	s3 =	rddreg [dreg:$0x2];
	[bflag:$0x3] =	sbarrier.arrive $0xFFFF;
	s2 =	simm.s32 @!p0 $0x1C02  }
0x94: {  	[timem:s3], [sflag:s2] =	dma.local @!p0 [hbm:s0], s1  }
0x95: {  	s0 =	simm.s32 @!p0 $0x2  }
0x96: {  	_ =	swait.ge @!p0 [sflag:s0], s1  }
0x97: {  	s1 =	ssub.s32 @!p0 $0x0, s1;
	[sflag:s0] =	ssyncset.done @!p0 $0x0  }
0x98: {  	[sflag:s0] =	ssyncadd.s32 @!p0 s1  }
0x99: {  	[bflag:$0x3] =	sbarrier.arrive $0xFFFF  }
0x9a: {  	_ =	shalt  }

// kernel: kernel.8.cloned.1.call-start
scs
__scs_entry_jumppad:
0x0: {  	(pc) =	sbr.rel $0x88, $3  }
0x1: {  	(tag) =	ssettag $0x0;
	lr =	simm.s32 $0x1  }
0x2: {  	[smem:$0x3F94] =	sst lr;
	_ =	strace $0xD0000000  }
0x3: {  	_ = 	snop  }
0x4: {  	_ = 	snop  }
0x5: {  	_ = 	snop  }
0x6: {  	_ = 	snop  }
0x7: {  	_ = 	snop  }
__scs_overlays_trampoline_lowered:
0x8: {  	[smem:$0x3FA3] =	sst s0  }
0x9: {  	[smem:$0x3FA4] =	sst s1  }
0xa: {  	[smem:$0x3FA5] =	sst s2  }
0xb: {  	[smem:$0x3FA6] =	sst s3  }
0xc: {  	[smem:$0x3FA7] =	sst s4  }
0xd: {  	[smem:$0x3FA8] =	sst s5  }
0xe: {  	[smem:$0x3FA9] =	sst s6  }
0xf: {  	[smem:$0x3FAA] =	sst s7  }
0x10: {  	[smem:$0x3FAB] =	sst s8  }
0x11: {  	[smem:$0x3FAC] =	sst s9;
	s0 =	simm.s32 @!p0 $0x0  }
0x12: {  	s1 =	sld [smem:$0x3F92];
	s0 =	simm.s32 @p0 $0x1  }
0x13: {  	[smem:$0x3FAD] =	sst s0;
	s0 =	simm.s32 @!p1 $0x0  }
0x14: {  	s2 =	sld [smem:$0x3F91];
	s0 =	simm.s32 @p1 $0x1  }
0x15: {  	[smem:$0x3FAE] =	sst s0;
	s0 =	simm.s32 @!p2 $0x0  }
0x16: {  	s3 =	sld [smem:$0x3FDB];
	s0 =	simm.s32 @p2 $0x1  }
0x17: {  	s4 =	simm.s32 $0x1BF5;
	[smem:$0x3FB0] =	sst s0  }
0x18: {  	s0 =	sld [smem:$0x3F93];
	_ =	swait.ge [sflag:s4], $0x0  }
0x19: {  	s7 =	sld [smem:$0x3F94]  }
0x1a: {  	s8 =	sadd.s32 $0xFFFFE003, lr  }
0x1b: {  	s9 =	sadd.s32 $0xFFFFFEF7, lr;
	s5 =	simm.s32 $0xFFFFFFFF;
	p2 =	slt.u32 s8, $0xFFFFF086  }
0x1c: {  	p1 =	slt.u32 s9, $0xF7A;
	s5 =	simm.s32 @!p2 $0x0  }
0x1d: {  	s5 =	simm.s32 @p1 $0x1;
	p0 =	seq.s32 s7, s2  }
0x1e: {  	s7 =	smul.u32 @!p0 $0xF7A, s2;
	p2 =	seq.s32 @!p0 s5, $0x0  }
0x1f: {  	s9 =	smul.u32 $0xF7A, s1;
	s8 =	simm.s32 @!p0 $0x1BF5;
	p2 =	por !p2, p0  }
0x20: {  	[sflag:s8] =	ssyncset.s32 @!p0 $0xFFFFF086;
	s6 =	sadd.s32 @!p0 s3, s7;
	s7 =	simm.s32 @!p0 $0x108  }
0x21: {  	s3 =	sadd.s32 s3, s9;
	s6 =	sadd.s32 @!p0 $0x88, s6;
	s7 =	simm.s32 @p2 $0x1082  }
0x22: {  	[simem:s7], [sflag:s8] =	dma.local @!p0 [hbm:s6], $0xF7A  }
0x23: {  	s9 =	sor.u32 $0xD0000000, s2;
	s6 =	simm.s32 $0x108;
	_ =	swait.ge @!p0 [sflag:s8], $0x0  }
0x24: {  	s3 =	sadd.s32 $0x88, s3;
	s6 =	simm.s32 @!p1 $0x1082;
	[sflag:s4] =	ssyncset.s32 $0xFFFFF086  }
0x25: {  	[simem:s6], [sflag:s4] =	dma.local [hbm:s3], $0xF7A  }
0x26: {  	[smem:$0x3F94] =	sst s1;
	(tag) =	ssettag s2;
	_ =	strace s9  }
0x27: {  	s1 =	sld [smem:$0x3FA4]  }
0x28: {  	s2 =	sld [smem:$0x3FA5]  }
0x29: {  	s4 =	sld [smem:$0x3FA7]  }
0x2a: {  	p0 =	seq.s32 s5, $0x0;
	s5 =	sld [smem:$0x3FA8]  }
0x2b: {  	s6 =	sld [smem:$0x3FA9]  }
0x2c: {  	s7 =	sld [smem:$0x3FAA]  }
0x2d: {  	s3 =	simm.s32 $0x108;
	s8 =	sld [smem:$0x3FAB]  }
0x2e: {  	s3 =	simm.s32 @!p0 $0x1082;
	s9 =	sld [smem:$0x3FAC]  }
0x2f: {  	lr =	sadd.s32 s0, s3;
	s0 =	sld [smem:$0x3FA3]  }
0x30: {  	s3 =	sld [smem:$0x3FA6]  }
0x31: {  	[smem:$0x3FAF] =	sst s10  }
0x32: {  	s10 =	sld [smem:$0x3FAD];
	_ =	sdelay $0x3  }
0x33: {  	p0 =	seq.s32 s10, $0x1;
	s10 =	sld [smem:$0x3FAF];
	_ =	sdelay $0x3  }
0x34: {  	[smem:$0x3FAF] =	sst s10  }
0x35: {  	s10 =	sld [smem:$0x3FAE];
	_ =	sdelay $0x3  }
0x36: {  	p1 =	seq.s32 s10, $0x1;
	s10 =	sld [smem:$0x3FAF];
	_ =	sdelay $0x3  }
0x37: {  	[smem:$0x3FAF] =	sst s10  }
0x38: {  	s10 =	sld [smem:$0x3FB0]  }
0x39: {  	_ = 	snop;
	(pc) =	sbr.ind lr, $3  }
0x3a: {  	_ = 	snop  }
0x3b: {  	_ = 	snop  }
0x3c: {  	p2 =	seq.s32 s10, $0x1;
	s10 =	sld [smem:$0x3FAF]  }
0x3d: {  	_ =	shalt  }
0x3e: {  	_ =	shalt  }
0x3f: {  	_ =	shalt  }
0x40: {  	_ =	shalt  }
0x41: {  	_ =	shalt  }
0x42: {  	_ =	shalt  }
0x43: {  	_ =	shalt  }
0x44: {  	_ =	shalt  }
0x45: {  	_ =	shalt  }
0x46: {  	_ =	shalt  }
0x47: {  	_ =	shalt  }
0x48: {  	_ =	shalt  }
0x49: {  	_ =	shalt  }
0x4a: {  	_ =	shalt  }
0x4b: {  	_ =	shalt  }
0x4c: {  	_ =	shalt  }
0x4d: {  	_ =	shalt  }
0x4e: {  	_ =	shalt  }
0x4f: {  	_ =	shalt  }
0x50: {  	_ =	shalt  }
0x51: {  	_ =	shalt  }
0x52: {  	_ =	shalt  }
0x53: {  	_ =	shalt  }
0x54: {  	_ =	shalt  }
0x55: {  	_ =	shalt  }
0x56: {  	_ =	shalt  }
0x57: {  	_ =	shalt  }
0x58: {  	_ =	shalt  }
0x59: {  	_ =	shalt  }
0x5a: {  	_ =	shalt  }
0x5b: {  	_ =	shalt  }
0x5c: {  	_ =	shalt  }
0x5d: {  	_ =	shalt  }
0x5e: {  	_ =	shalt  }
0x5f: {  	_ =	shalt  }
0x60: {  	_ =	shalt  }
0x61: {  	_ =	shalt  }
0x62: {  	_ =	shalt  }
0x63: {  	_ =	shalt  }
0x64: {  	_ =	shalt  }
0x65: {  	_ =	shalt  }
0x66: {  	_ =	shalt  }
0x67: {  	_ =	shalt  }
0x68: {  	_ =	shalt  }
0x69: {  	_ =	shalt  }
0x6a: {  	_ =	shalt  }
0x6b: {  	_ =	shalt  }
0x6c: {  	_ =	shalt  }
0x6d: {  	_ =	shalt  }
0x6e: {  	_ =	shalt  }
0x6f: {  	_ =	shalt  }
0x70: {  	_ =	shalt  }
0x71: {  	_ =	shalt  }
0x72: {  	_ =	shalt  }
0x73: {  	_ =	shalt  }
0x74: {  	_ =	shalt  }
0x75: {  	_ =	shalt  }
0x76: {  	_ =	shalt  }
0x77: {  	_ =	shalt  }
0x78: {  	_ =	shalt  }
0x79: {  	_ =	shalt  }
0x7a: {  	_ =	shalt  }
0x7b: {  	_ =	shalt  }
0x7c: {  	_ =	shalt  }
0x7d: {  	_ =	shalt  }
0x7e: {  	_ =	shalt  }
0x7f: {  	_ =	shalt  }
0x80: {  	_ =	shalt  }
0x81: {  	_ =	shalt  }
0x82: {  	_ =	shalt  }
0x83: {  	_ =	shalt  }
0x84: {  	_ =	shalt  }
0x85: {  	_ =	shalt  }
0x86: {  	_ =	shalt  }
0x87: {  	_ =	shalt  }
.Lfunc_end0:
.L_simem_size_0:
called_computation_lowered:
.L_overlay_start_0:
0x88: {  	s2 =	sld [smem:$0x3FD9]  }
0x89: {  	s3 =	sld [smem:$0x3FFE];
	_ =	sdelay $0x1  }
0x8a: {  	s1 =	srdreg.scid  }
0x8b: {  	s0 =	sand.u32 $0x1, s1  }
0x8c: {  	s17 =	sshll.u32 s0, $0xA;
	s2 =	sadd.s32 s3, s2  }
0x8d: {  	s2 =	sadd.s32 s2, s17  }
0x8e: {  	[smem:$0x3FBB] =	sst s2  }
0x8f: {  	_ = 	snop  }
0x90: {  	s2 =	sld [smem:$0x3FD0];
	(tm) =	ssettm $0x1  }
0x91: {  	s18 =	sld [smem:$0x3FFB];
	_ =	sdelay $0x3  }
0x92: {  	_ =	strace s18  }
0x93: {  	s3 =	sld [smem:$0x3FFC];
	_ =	sdelay $0x3  }
0x94: {  	_ =	strace s3  }
0x95: {  	s3 =	sld [smem:$0x3FFD];
	_ =	sdelay $0x3  }
0x96: {  	_ =	strace s3  }
0x97: {  	_ =	strace $0x8FFFFFFF  }
0x98: {  	s19 =	sld [smem:$0x3FDB];
	_ =	sdelay $0x1  }
0x99: {  	s4 =	simm.s32 $_scs_section_size  }
0x9a: {  	s5 =	simm.s32 $_size__tile_overlayer_lowered;
	s6 =	simm.s32 $_tile_overlayer_lowered  }
0x9b: {  	s22 =	simm.s32 $0x1BFF;
	s21 =	sshll.u32 s6, $0x1;
	s3 =	sadd.s32 s4, s19  }
0x9c: {  	s7 =	simm.s32 $0x0;
	s20 =	sshll.u32 s5, $0x1;
	s5 =	sadd.s32 s21, s3  }
0x9d: {  	[timem:s7], [sflag:s22] =	dma.local [hbm:s5], s20  }
0x9e: {  	_ =	swait.ge [sflag:s22], s20  }
0x9f: {  	s4 =	ssub.s32 $0x0, s20;
	[sflag:s22] =	ssyncset.done $0x0  }
0xa0: {  	[sflag:s22] =	ssyncadd.s32 s4;
	_ =	sdelay $0x1  }
0xa1: {  	s23 =	simm.s32 $0x1B8B  }
0xa2: {  	_ =	swait.ge [sflag:s23], $0x1  }
0xa3: {  	[sflag:s23] =	ssyncset.done $0x0  }
0xa4: {  	s25 =	simm.s32 $0x1B8E;
	s24 =	sld [smem:$0x3FFE];
	[sflag:s23] =	ssyncadd.s32 $0xFFFFFFFF  }
0xa5: {  	s26 =	simm.s32 $execute0_lowered;
	[smem:$0x3FD2] =	sst s25  }
0xa6: {  	s5 =	sshll.u32 s26, $0x1;
	_ =	strace $0x80000046;
	[dreg:$0x1] =	wrdreg $0xFFFFFFFF  }
0xa7: {  	s28 =	simm.s32 $_size_execute0_lowered;
	s3 =	sadd.s32 s3, s5;
	[dreg:$0x0] =	wrdreg $0x0  }
0xa8: {  	s5 =	sshll.u32 s28, $0x1;
	[dreg:$0x2] =	wrdreg s3  }
0xa9: {  	[dreg:$0x3] =	wrdreg s5  }
0xaa: {  	[dreg:$0x4] =	wrdreg $0xC0  }
0xab: {  	_ =	task [dreg:s7], $0x5FFFF  }
0xac: {  	[dreg:$0x1] =	wrdreg $0xFFFFFFFF  }
0xad: {  	[dreg:$0x0] =	wrdreg $0x60  }
0xae: {  	[dreg:$0x2] =	wrdreg s24  }
0xaf: {  	[dreg:$0x3] =	wrdreg s2  }
0xb0: {  	[dreg:$0x4] =	wrdreg $0x68000  }
0xb1: {  	[dreg:$0x5] =	wrdreg $0x9  }
0xb2: {  	_ =	task.clear_ibuf [dreg:s7], $0x6FFFF;
	_ =	strace $0x90000046  }
0xb3: {  	s29 =	simm.s32 $0x9;
	_ =	strace $0x80000048  }
0xb4: {  	_ =	swait.ge [sflag:s29], $0x1  }
0xb5: {  	[sflag:s29] =	ssyncadd.s32 $0xFFFFFFFF  }
0xb6: {  	_ =	strace $0x90000048  }
0xb7: {  	_ =	sfence  }
0xb8: {  	s30 =	sld [smem:$0x0];
	_ =	sdelay $0x2  }
0xb9: {  	s31 =	sshll.u32 s1, $0xD;
	s1 =	sshrl.u32 s1, $0x2  }
0xba: {  	s3 =	sand.u32 $0x4000, s31;
	s1 =	sadd.s32 s1, s30  }
0xbb: {  	s0 =	sor.u32 s3, s0;
	s1 =	sshll.u32 s1, $0x11  }
0xbc: {  	s0 =	sor.u32 s1, s0  }
0xbd: {  	s0 =	sadd.s32 $0x8F2B, s0  }
0xbe: {  	[sflag:s0] =	ssyncadd.remote.s32 $0x1  }
0xbf: {  	_ =	sfence.sel $0xFFFF  }
0xc0: {  	[dreg:$0x0] =	wrdreg $0xFFFFFFFF;
	(pc) =	sbr.abs _section_cstart, $3  }
0xc1: {  	[dreg:$0x1] =	wrdreg $0xFFFFFFFF  }
0xc2: {  	_ =	task.clear_ibuf [dreg:s7], $0x2FFFF;
	_ =	strace $0x9FFFFFFF  }
0xc3: {  	(tm) =	ssettm $0x7FFFFFFF  }
tec
execute0_lowered:
.L_overlay_start_1:
0x0: {  	(tag) =	ssettag $0x1  }
0x1: {  	s5 =	rddreg [dreg:$0x0]  }
0x2: {  	s8 =	rddreg [dreg:$0x1]  }
0x3: {  	s1 =	rddreg [dreg:$0x2]  }
0x4: {  	s0 =	rddreg [dreg:$0x3];
	s2 =	srdreg.scid  }
0x5: {  	s3 =	simm.s32 $0x0;
	s6 =	sand.u32 $0x1, s2;
	s2 =	stileid.u32  }
0x6: {  	s14 =	simm.s32 $0x0;
	[smem:$0x7FF] =	sst s3;
	s7 =	smul.u32 $0x13C00, s2  }
0x7: {  	s4 =	sshll.u32 s6, $0xB;
	_ =	strace $0x80000047;
	s10 =	smul.u32 $0x4F000, s2  }
0x8: {  	s12 =	ssub.s32 $0x2, s6;
	s6 =	smul.u32 $0x13C000, s6;
	s29 =	sshll.u32 s2, $0xC  }
0x9: {  	s30 =	sshll.u32 s2, $0x6;
	s9 =	sadd.s32 s4, s5;
	s4 =	sadd.s32 $0x11A00, s5  }
0xa: {  	s13 =	sshrl.u32 s12, $0x1;
	s11 =	sshrl.u32 s7, $0x3;
	s10 =	sshrl.u32 s10, $0x2  }
0xb: {  	s28 =	ssub.s32 s12, s13;
	s6 =	sadd.s32 s7, s6;
	s9 =	sadd.s32 s29, s9  }
0xc: {  	s12 =	simm.s32 $0x4000;
	s13 =	simm.s32 $0x50;
	s5 =	sadd.s32 s11, s5  }
0xd: {  	s10 =	sadd.s32 s10, s1;
	s31 =	sshrl.u32 s6, $0x3;
	s6 =	sor.u32 $0x1C01, s30  }
0xe: {  	s7 =	sadd.s32 $0x1A00, s9;
	s9 =	smax.u32 s28, $0x1;
	s11 =	simm.s32 $0x1  }
0xf: {  	s5 =	sadd.s32 $0x12000, s5;
	s8 =	sadd.s32 s8, s31;
	s10 =	sshrl.u32 s10, $0x3  }
.LBB2_1:
0x10: {  	[spmem:s10], [sflag:s6] =	dma.local [hbm:s5], $0x2780  }
0x11: {  	_ =	swait.ge [sflag:s11], $0x2780  }
0x12: {  	[sflag:s11] =	ssyncset.done $0x0  }
0x13: {  	[sflag:s11] =	ssyncadd.s32 $0xFFFFD880  }
0x14: {  	[tilespmem:s3], [sflag:$0x1] =	stream.linear.gather [hbm4b:s7+s3], $0x3E80, $0x38;
	[tilespmem:$0x1A400] =	vst v63  }
0x15: {  	_ =	swait.ge [sflag:s11], $0x3E80  }
0x16: {  	[sflag:s11] =	ssyncset.done $0x0  }
0x17: {  	[sflag:s11] =	ssyncadd.s32 $0xFFFFC180  }
0x18: {  	[tilespmem:s12], [sflag:$0x1] =	stream.linear.gather [hbm4b:s4+s3], $0x2800, $0x38;
	[tilespmem:$0x1A400] =	vst v63  }
0x19: {  	_ =	swait.ge [sflag:s11], $0x2800  }
0x1a: {  	[sflag:s11] =	ssyncset.done $0x0  }
0x1b: {  	[sflag:s11] =	ssyncadd.s32 $0xFFFFD800  }
0x1c: {  	s15 =	simm.s32 $0x0;
	[bflag:$0x0] =	sbarrier.arrive $0xFFFF  }
0x1d: {  	[spmem:s1] =	stream.indirect.scatter.add.f32 [tilespmem:s12], [sflag:$0x1], $0x80, s15, s13, $0xb8;
	[tilespmem:$0x1A400] =	vst v63  }
0x1e: {  	_ =	swait.ge [sflag:s11], $0x2800  }
0x1f: {  	s15 =	simm.s32 $0x200;
	[sflag:s11] =	ssyncset.done $0x0  }
.LBB2_2:
0x20: {  	s16 =	sshra.s32 s15, $0x2;
	[sflag:s11] =	ssyncadd.s32 $0xFFFFD800;
	p0 =	sne.s32 s15, $0xF800  }
0x21: {  	[spmem:s1] =	stream.indirect.scatter.add.f32 [tilespmem:s12], [sflag:$0x1], $0x80, s16, s13, $0xb8;
	[tilespmem:$0x1A400] =	vst v63  }
.Ltmp0:
0x22: {  	_ = 	snop;
	(pc) =	sbr.rel @p0 .LBB2_2-.Ltmp0, $4  }
0x23: {  	_ = 	snop  }
0x24: {  	s15 =	sadd.s32 $0x200, s15  }
0x25: {  	_ =	swait.ge [sflag:s11], $0x2800  }
0x26: {  	[sflag:s11] =	ssyncset.done $0x0  }
0x27: {  	s14 =	sadd.s32 $0x1, s14  }
0x28: {  	[sflag:s11] =	ssyncadd.s32 $0xFFFFD800;
	p0 =	sne.s32 s14, s9  }
.Ltmp1:
0x29: {  	[bflag:$0x0] =	sbarrier.arrive $0xFFFF;
	(pc) =	sbr.rel @p0 .LBB2_1-.Ltmp1, $4  }
0x2a: {  	[hbm:s8], [sflag:s6] =	dma.local [spmem:s10], $0x2780  }
0x2b: {  	_ =	swait.ge [sflag:s11], $0x2780  }
0x2c: {  	[sflag:s11] =	ssyncset.done $0x0  }
0x2d: {  	[sflag:s11] =	ssyncadd.s32 $0xFFFFD880  }
0x2e: {  	_ =	sfence.sel $0x180000  }
0x2f: {  	[bflag:$0x0] =	sbarrier.arrive $0xFFFF  }
0x30: {  	p0 =	sne.s32 s2, $0x0;
	_ =	strace $0x90000047  }
0x31: {  	s0 =	sadd.s32 @!p0 $0x100000, s0;
	[bflag:$0x2] =	sbarrier.arrive $0xFFFF  }
0x32: {  	[sflag:s0] =	ssyncadd.tile.s32 @!p0 $0x1;
	_ =	shalt  }
.Lfunc_end2:
_tile_overlayer_lowered:
.L_overlay_start_2:
0x33: {  	(tag) =	ssettag $0x2  }
0x34: {  	s0 =	rddreg [dreg:$0x0];
	s2 =	stileid.u32  }
0x35: {  	s1 =	rddreg [dreg:$0x1];
	p0 =	sne.s32 s2, $0x0  }
0x36: {  	s3 =	rddreg [dreg:$0x2];
	[bflag:$0x3] =	sbarrier.arrive $0xFFFF;
	s2 =	simm.s32 @!p0 $0x1C01  }
0x37: {  	[timem:s3], [sflag:s2] =	dma.local @!p0 [hbm:s0], s1  }
0x38: {  	s0 =	simm.s32 @!p0 $0x1  }
0x39: {  	_ =	swait.ge @!p0 [sflag:s0], s1  }
0x3a: {  	s1 =	ssub.s32 @!p0 $0x0, s1;
	[sflag:s0] =	ssyncset.done @!p0 $0x0  }
0x3b: {  	[sflag:s0] =	ssyncadd.s32 @!p0 s1  }
0x3c: {  	[bflag:$0x3] =	sbarrier.arrive $0xFFFF  }
0x3d: {  	_ =	shalt  }

</sc_bundles>
